<compile_context>
chip_gen: v7x
topology: tpu7x:2x2x1
jax: 0.10.2.dev20260603
libtpu: 0.0.44.dev20260713+nightly
codegen_flags: <defaults>
</compile_context>

<pallas_src>
import functools

import jax
import jax.numpy as jnp
from jax import lax
from jax.experimental import pallas as pl
from jax.experimental.pallas import tpu as pltpu
from jax.experimental.pallas import tpu_sc as plsc

_VOCAB = 8192
_HID = 64
_CB = 4
_L = 2048
_VT = 1024
_NV = _VOCAB // _VT


def _bf(x):
    return x.astype(jnp.bfloat16)


def _conv1d(x, w, b, stride, pad):
    out = jax.lax.conv_general_dilated(
        x, w, window_strides=(stride,), padding=[(pad, pad)],
        dimension_numbers=('NCH', 'OIH', 'NCH'))
    return out + b[None, :, None]



def _argmin_body(ft_ref, f2_ref, c2_ref, cb_ref, tok_ref, best_ref, bidx_ref):
    v = pl.program_id(2)
    ft = ft_ref[0]
    cb = cb_ref[0]
    f2 = f2_ref[0]
    c2 = c2_ref[0, 0]
    dot2 = 2.0 * lax.dot_general(_bf(cb), _bf(ft), (((1,), (0,)), ((), ())),
                                 preferred_element_type=jnp.float32)
    d2 = (f2 + c2) - dot2
    m = jnp.min(d2, axis=0, keepdims=True)
    iota = lax.broadcasted_iota(jnp.int32, (_VT, _L), 0) + v * _VT
    idx = jnp.min(jnp.where(d2 == m, iota, jnp.int32(2 ** 30)),
                  axis=0, keepdims=True)

    @pl.when(v == 0)
    def _():
        best_ref[...] = m
        bidx_ref[...] = idx

    @pl.when(v != 0)
    def _():
        upd = m < best_ref[...]
        best_ref[...] = jnp.where(upd, m, best_ref[...])
        bidx_ref[...] = jnp.where(upd, idx, bidx_ref[...])

    @pl.when(v == _NV - 1)
    def _():
        tok_ref[0, 0] = bidx_ref[...]


def _vq_tokens(ft, f2, c2, codebook):
    B = ft.shape[0]
    tok4 = pl.pallas_call(
        _argmin_body,
        grid=(B, _CB, _NV),
        in_specs=[
            pl.BlockSpec((1, _HID, _L), lambda b, i, v: (b, 0, 0)),
            pl.BlockSpec((1, 1, _L), lambda b, i, v: (b, 0, 0)),
            pl.BlockSpec((1, 1, _VT, 1), lambda b, i, v: (i, v, 0, 0)),
            pl.BlockSpec((1, _VT, _HID), lambda b, i, v: (i, v, 0)),
        ],
        out_specs=pl.BlockSpec((1, 1, 1, _L), lambda b, i, v: (b, i, 0, 0)),
        out_shape=jax.ShapeDtypeStruct((B, _CB, 1, _L), jnp.int32),
        scratch_shapes=[
            pltpu.VMEM((1, _L), jnp.float32),
            pltpu.VMEM((1, _L), jnp.int32),
        ],
    )(ft, f2, c2, codebook)
    return tok4.reshape(B, _CB, _L)



def _gather_mean(tokens, emb_table):
    B = tokens.shape[0]
    NW = 32
    per = (B * _L) // NW
    wpb = _L // per
    mesh = plsc.VectorSubcoreMesh(core_axis_name="c", subcore_axis_name="s")

    @functools.partial(
        pl.kernel,
        out_type=jax.ShapeDtypeStruct((B, _L, _HID), jnp.float32),
        mesh=mesh,
        compiler_params=pltpu.CompilerParams(use_tc_tiling_on_sc=False),
        scratch_types=[
            pltpu.VMEM((_CB * per,), jnp.int32),
            pltpu.VMEM((_CB * per, _HID), jnp.float32),
            pltpu.VMEM((per, _HID), jnp.float32),
            pltpu.SemaphoreType.DMA,
        ],
    )
    def k(tok_hbm, table_hbm, out_hbm, idx_v, rows_v, out_v, sem):
        sid = lax.axis_index("s")
        wid = sid * 2 + lax.axis_index("c")
        b = wid // wpb
        l0 = (wid % wpb) * per
        for i in range(_CB):
            pltpu.sync_copy(tok_hbm.at[b, i, pl.ds(l0, per)],
                            idx_v.at[pl.ds(i * per, per)])
        pltpu.async_copy(table_hbm.at[idx_v], rows_v, sem).wait()

        @plsc.parallel_loop(0, per, 1, unroll=8)
        def _mean_body(l):
            for c in range(_HID // 16):
                sl = pl.ds(c * 16, 16)
                acc = ((rows_v[l, sl] + rows_v[l + per, sl])
                       + rows_v[l + 2 * per, sl]) + rows_v[l + 3 * per, sl]
                out_v[l, sl] = acc * 0.25
        pltpu.sync_copy(out_v, out_hbm.at[b, pl.ds(l0, per)])

    return k(tokens, emb_table)


def kernel(audio, w1, b1, w2, b2, w3, b3, codebook, emb_table):
    h = jax.nn.relu(_conv1d(audio, w1, b1, 2, 3))
    h = jax.nn.relu(_conv1d(h, w2, b2, 2, 3))
    h = _conv1d(h, w3, b3, 2, 3)
    features = jnp.transpose(h, (0, 2, 1))
    f2 = jnp.sum(features * features, axis=-1, keepdims=True)
    f2r = jnp.transpose(f2, (0, 2, 1))
    c2 = jnp.stack([jnp.sum(codebook[i] * codebook[i], axis=-1)
                    for i in range(_CB)])
    c2r = c2.reshape(_CB, _NV, _VT, 1)
    ft = jnp.transpose(features, (0, 2, 1))
    tokens = _vq_tokens(ft, f2r, c2r, codebook)
    embeddings = _gather_mean(tokens, emb_table)
    return tokens, embeddings

# --- scband reference (transcript-rebuilt; emitter-appended) ---
"""Pipeline reference for scband-audio-encoder-25838523253484 (READ-ONLY COPY).

The authoritative reference and input builder live on the scoring server;
editing this copy changes nothing except your own understanding.
"""

import jax, jax.numpy as jnp
import numpy as np

VOCAB = 8192
HID = 64
CB = 4

def conv1d(x, w, b, stride, pad):
    out = jax.lax.conv_general_dilated(
        x, w, window_strides=(stride,), padding=[(pad, pad)],
        dimension_numbers=('NCH', 'OIH', 'NCH'))
    return out + b[None, :, None]

def setup_inputs(seed: int = 0) -> dict:
    key = jax.random.key(seed)
    ks = jax.random.split(key, 9)
    audio = jax.random.normal(ks[0], (2, 1, 16384), dtype=jnp.float32)
    w1 = jax.random.normal(ks[1], (HID // 4, 1, 7), dtype=jnp.float32) * 0.1
    b1 = jax.random.normal(ks[2], (HID // 4,), dtype=jnp.float32) * 0.01
    w2 = jax.random.normal(ks[3], (HID // 2, HID // 4, 7), dtype=jnp.float32) * 0.1
    b2 = jax.random.normal(ks[4], (HID // 2,), dtype=jnp.float32) * 0.01
    w3 = jax.random.normal(ks[5], (HID, HID // 2, 7), dtype=jnp.float32) * 0.1
    b3 = jax.random.normal(ks[6], (HID,), dtype=jnp.float32) * 0.01
    codebook = jax.random.normal(ks[7], (CB, VOCAB, HID), dtype=jnp.float32)
    emb_table = jax.random.normal(ks[8], (VOCAB, HID), dtype=jnp.float32)
    return {'audio': audio, 'w1': w1, 'b1': b1, 'w2': w2, 'b2': b2,
            'w3': w3, 'b3': b3, 'codebook': codebook, 'emb_table': emb_table}

def _cdist(f, cb):
    # f: [B, L, D], cb: [V, D] -> [B, L, V] euclidean distances
    f2 = jnp.sum(f * f, axis=-1, keepdims=True)          # [B, L, 1]
    c2 = jnp.sum(cb * cb, axis=-1)[None, None, :]        # [1, 1, V]
    d2 = f2 + c2 - 2.0 * jnp.einsum('bld,vd->blv', f, cb)
    return jnp.sqrt(jnp.clip(d2, 0.0, None))

def reference(audio, w1, b1, w2, b2, w3, b3, codebook, emb_table):
    h = conv1d(audio, w1, b1, 2, 3)
    h = jax.nn.relu(h)
    h = conv1d(h, w2, b2, 2, 3)
    h = jax.nn.relu(h)
    h = conv1d(h, w3, b3, 2, 3)          # [B, HID, L]
    features = jnp.transpose(h, (0, 2, 1))  # [B, L, HID]
    tokens_list = []
    emb_list = []
    for i in range(CB):
        distances = _cdist(features, codebook[i])       # [B, L, V]
        tokens = jnp.argmin(distances, axis=-1)          # [B, L]
        emb = jnp.take(emb_table, tokens, axis=0)        # [B, L, HID]
        tokens_list.append(tokens)
        emb_list.append(emb)
    tokens = jnp.stack(tokens_list, axis=1)              # [B, CB, L]
    embeddings = jnp.stack(emb_list, axis=1).mean(axis=1)  # [B, L, HID]
    return (tokens, embeddings)

if __name__ == "__main__":
    import jax
    _d = setup_inputs()
    print(jax.jit(kernel)(*tuple(_d.values())))

</pallas_src>

<mosaic_0001>
#map = affine_map<(d0, d1) -> (0, 0, 0)>
#map1 = affine_map<(d0, d1) -> (0, 0)>
module attributes {stable_mosaic.version = 14 : i64} {
  func.func @k(%arg0: i32, %arg1: i32, %arg2: memref<2x4x2048xi32, #tpu.memory_space<hbm>>, %arg3: memref<8192x64xf32, #tpu.memory_space<hbm>>, %arg4: memref<2x2048x64xf32, #tpu.memory_space<hbm>>, %arg5: memref<512xi32, #tpu.memory_space<vmem>>, %arg6: memref<512x64xf32, #tpu.memory_space<vmem>>, %arg7: memref<128x64xf32, #tpu.memory_space<vmem>>, %arg8: memref<!tpu.dma_semaphore, #tpu.memory_space<semaphore_mem>>) attributes {dimension_semantics = [#tpu.dimension_semantics<core_parallel>, #tpu.dimension_semantics<subcore_parallel>], iteration_bounds = array<i64: 2, 16>, scalar_prefetch = 0 : i64, scratch_operands = 4 : i64, tpu.core_type = #tpu.core_type<sc_vector_subcore>, window_params = [{transform_indices = #map}, {transform_indices = #map1}, {transform_indices = #map}]} {
    %mul3A = arith.constant 2 : i32
    %mul3A_0 = arith.muli %arg1, %mul3A : i32
    %add3A = arith.addi %mul3A_0, %arg0 : i32
    %jit3A = arith.constant 16 : i32
    %div3A = arith.divsi %add3A, %jit3A : i32
    %sign3A = arith.constant 0 : i32
    %sign3A_1 = arith.cmpi sgt, %add3A, %sign3A : i32
    %sign3A_2 = arith.extui %sign3A_1 : i1 to i32
    %sign3A_3 = arith.constant 0 : i32
    %sign3A_4 = arith.cmpi slt, %add3A, %sign3A_3 : i32
    %sign3A_5 = arith.extui %sign3A_4 : i1 to i32
    %sign3A_6 = arith.subi %sign3A_2, %sign3A_5 : i32
    %sign3A_7 = arith.constant 0 : i32
    %sign3A_8 = arith.cmpi sgt, %jit3A, %sign3A_7 : i32
    %sign3A_9 = arith.extui %sign3A_8 : i1 to i32
    %sign3A_10 = arith.constant 0 : i32
    %sign3A_11 = arith.cmpi slt, %jit3A, %sign3A_10 : i32
    %sign3A_12 = arith.extui %sign3A_11 : i1 to i32
    %sign3A_13 = arith.subi %sign3A_9, %sign3A_12 : i32
    %ne3A = arith.cmpi ne, %sign3A_6, %sign3A_13 : i32
    %rem3A = arith.remsi %add3A, %jit3A : i32
    %ne3A_14 = arith.constant 0 : i32
    %ne3A_15 = arith.cmpi ne, %rem3A, %ne3A_14 : i32
    %and3A = arith.andi %ne3A, %ne3A_15 : i1
    %sub3A = arith.constant 1 : i32
    %sub3A_16 = arith.subi %div3A, %sub3A : i32
    %select_n3A = arith.select %and3A, %sub3A_16, %div3A : i32
    %jit3A_17 = arith.constant 16 : i32
    %eq3A = arith.constant 0 : i32
    %eq3A_18 = arith.cmpi eq, %jit3A_17, %eq3A : i32
    %jit3A_19 = arith.constant 1 : i32
    %select_n3A_20 = arith.select %eq3A_18, %jit3A_19, %jit3A_17 : i32
    %rem3A_21 = arith.remsi %add3A, %select_n3A_20 : i32
    %ne3A_22 = arith.constant 0 : i32
    %ne3A_23 = arith.cmpi ne, %rem3A_21, %ne3A_22 : i32
    %lt3A = arith.constant 0 : i32
    %lt3A_24 = arith.cmpi slt, %rem3A_21, %lt3A : i32
    %lt3A_25 = arith.constant 0 : i32
    %lt3A_26 = arith.cmpi slt, %select_n3A_20, %lt3A_25 : i32
    %ne3A_27 = arith.xori %lt3A_24, %lt3A_26 : i1
    %and3A_28 = arith.andi %ne3A_27, %ne3A_23 : i1
    %add3A_29 = arith.addi %rem3A_21, %select_n3A_20 : i32
    %select_n3A_30 = arith.select %and3A_28, %add3A_29, %rem3A_21 : i32
    %mul3A_31 = arith.constant 128 : i32
    %mul3A_32 = arith.muli %select_n3A_30, %mul3A_31 : i32
    %run_scoped3A = arith.constant 0 : i32
    "tpu.region"() ({
      %run_scoped3A_42 = tpu.sem_alloc : memref<!tpu.dma_semaphore, #tpu.memory_space<semaphore_mem>>
      %dma_start3A_43 = arith.constant 0 : i32
      %dma_start3A_44 = tpu.memref_slice %arg5[%dma_start3A_43] : memref<512xi32, #tpu.memory_space<vmem>> -> memref<128xi32, #tpu.memory_space<vmem>>
      %dma_start3A_45 = tpu.memref_slice %arg2[%select_n3A, %run_scoped3A, %mul3A_32] : memref<2x4x2048xi32, #tpu.memory_space<hbm>> -> memref<1x1x128xi32, #tpu.memory_space<hbm>>
      %dma_start3A_46 = tpu.memref_squeeze %dma_start3A_45 : memref<1x1x128xi32, #tpu.memory_space<hbm>> -> memref<128xi32, #tpu.memory_space<hbm>>
      %dma_start3A_47 = arith.constant 0 : i32
      %dma_start3A_48 = tpu.memref_slice %arg5[%dma_start3A_47] : memref<512xi32, #tpu.memory_space<vmem>> -> memref<128xi32, #tpu.memory_space<vmem>>
      %dma_start3A_49 = tpu.memref_slice %arg2[%select_n3A, %run_scoped3A, %mul3A_32] : memref<2x4x2048xi32, #tpu.memory_space<hbm>> -> memref<1x1x128xi32, #tpu.memory_space<hbm>>
      %dma_start3A_50 = tpu.memref_squeeze %dma_start3A_49 : memref<1x1x128xi32, #tpu.memory_space<hbm>> -> memref<128xi32, #tpu.memory_space<hbm>>
      tpu.enqueue_dma source(%dma_start3A_50 : memref<128xi32, #tpu.memory_space<hbm>>) target(%dma_start3A_48 : memref<128xi32, #tpu.memory_space<vmem>>) target_semaphore(%run_scoped3A_42 : memref<!tpu.dma_semaphore, #tpu.memory_space<semaphore_mem>>)
      %dma_wait3A_51 = arith.constant 0 : i32
      %dma_wait3A_52 = tpu.memref_slice %arg5[%dma_wait3A_51] : memref<512xi32, #tpu.memory_space<vmem>> -> memref<128xi32, #tpu.memory_space<vmem>>
      %dma_wait3A_53 = tpu.memref_slice %arg2[%select_n3A, %run_scoped3A, %mul3A_32] : memref<2x4x2048xi32, #tpu.memory_space<hbm>> -> memref<1x1x128xi32, #tpu.memory_space<hbm>>
      %dma_wait3A_54 = tpu.memref_squeeze %dma_wait3A_53 : memref<1x1x128xi32, #tpu.memory_space<hbm>> -> memref<128xi32, #tpu.memory_space<hbm>>
      %dma_wait3A_55 = arith.constant 0 : i32
      %dma_wait3A_56 = tpu.memref_slice %arg5[%dma_wait3A_55] : memref<512xi32, #tpu.memory_space<vmem>> -> memref<128xi32, #tpu.memory_space<vmem>>
      %dma_wait3A_57 = tpu.memref_slice %arg2[%select_n3A, %run_scoped3A, %mul3A_32] : memref<2x4x2048xi32, #tpu.memory_space<hbm>> -> memref<1x1x128xi32, #tpu.memory_space<hbm>>
      %dma_wait3A_58 = tpu.memref_squeeze %dma_wait3A_57 : memref<1x1x128xi32, #tpu.memory_space<hbm>> -> memref<128xi32, #tpu.memory_space<hbm>>
      tpu.wait_dma2 semaphore(%run_scoped3A_42 : memref<!tpu.dma_semaphore, #tpu.memory_space<semaphore_mem>>) src(%dma_wait3A_58 : memref<128xi32, #tpu.memory_space<hbm>>) dst(%dma_wait3A_56 : memref<128xi32, #tpu.memory_space<vmem>>)
      tpu.yield
    }) : () -> ()
    %run_scoped3A_33 = arith.constant 1 : i32
    "tpu.region"() ({
      %run_scoped3A_42 = tpu.sem_alloc : memref<!tpu.dma_semaphore, #tpu.memory_space<semaphore_mem>>
      %dma_start3A_43 = arith.constant 128 : i32
      %dma_start3A_44 = tpu.memref_slice %arg5[%dma_start3A_43] : memref<512xi32, #tpu.memory_space<vmem>> -> memref<128xi32, #tpu.memory_space<vmem>>
      %dma_start3A_45 = tpu.memref_slice %arg2[%select_n3A, %run_scoped3A_33, %mul3A_32] : memref<2x4x2048xi32, #tpu.memory_space<hbm>> -> memref<1x1x128xi32, #tpu.memory_space<hbm>>
      %dma_start3A_46 = tpu.memref_squeeze %dma_start3A_45 : memref<1x1x128xi32, #tpu.memory_space<hbm>> -> memref<128xi32, #tpu.memory_space<hbm>>
      %dma_start3A_47 = arith.constant 128 : i32
      %dma_start3A_48 = tpu.memref_slice %arg5[%dma_start3A_47] : memref<512xi32, #tpu.memory_space<vmem>> -> memref<128xi32, #tpu.memory_space<vmem>>
      %dma_start3A_49 = tpu.memref_slice %arg2[%select_n3A, %run_scoped3A_33, %mul3A_32] : memref<2x4x2048xi32, #tpu.memory_space<hbm>> -> memref<1x1x128xi32, #tpu.memory_space<hbm>>
      %dma_start3A_50 = tpu.memref_squeeze %dma_start3A_49 : memref<1x1x128xi32, #tpu.memory_space<hbm>> -> memref<128xi32, #tpu.memory_space<hbm>>
      tpu.enqueue_dma source(%dma_start3A_50 : memref<128xi32, #tpu.memory_space<hbm>>) target(%dma_start3A_48 : memref<128xi32, #tpu.memory_space<vmem>>) target_semaphore(%run_scoped3A_42 : memref<!tpu.dma_semaphore, #tpu.memory_space<semaphore_mem>>)
      %dma_wait3A_51 = arith.constant 128 : i32
      %dma_wait3A_52 = tpu.memref_slice %arg5[%dma_wait3A_51] : memref<512xi32, #tpu.memory_space<vmem>> -> memref<128xi32, #tpu.memory_space<vmem>>
      %dma_wait3A_53 = tpu.memref_slice %arg2[%select_n3A, %run_scoped3A_33, %mul3A_32] : memref<2x4x2048xi32, #tpu.memory_space<hbm>> -> memref<1x1x128xi32, #tpu.memory_space<hbm>>
      %dma_wait3A_54 = tpu.memref_squeeze %dma_wait3A_53 : memref<1x1x128xi32, #tpu.memory_space<hbm>> -> memref<128xi32, #tpu.memory_space<hbm>>
      %dma_wait3A_55 = arith.constant 128 : i32
      %dma_wait3A_56 = tpu.memref_slice %arg5[%dma_wait3A_55] : memref<512xi32, #tpu.memory_space<vmem>> -> memref<128xi32, #tpu.memory_space<vmem>>
      %dma_wait3A_57 = tpu.memref_slice %arg2[%select_n3A, %run_scoped3A_33, %mul3A_32] : memref<2x4x2048xi32, #tpu.memory_space<hbm>> -> memref<1x1x128xi32, #tpu.memory_space<hbm>>
      %dma_wait3A_58 = tpu.memref_squeeze %dma_wait3A_57 : memref<1x1x128xi32, #tpu.memory_space<hbm>> -> memref<128xi32, #tpu.memory_space<hbm>>
      tpu.wait_dma2 semaphore(%run_scoped3A_42 : memref<!tpu.dma_semaphore, #tpu.memory_space<semaphore_mem>>) src(%dma_wait3A_58 : memref<128xi32, #tpu.memory_space<hbm>>) dst(%dma_wait3A_56 : memref<128xi32, #tpu.memory_space<vmem>>)
      tpu.yield
    }) : () -> ()
    %run_scoped3A_34 = arith.constant 2 : i32
    "tpu.region"() ({
      %run_scoped3A_42 = tpu.sem_alloc : memref<!tpu.dma_semaphore, #tpu.memory_space<semaphore_mem>>
      %dma_start3A_43 = arith.constant 256 : i32
      %dma_start3A_44 = tpu.memref_slice %arg5[%dma_start3A_43] : memref<512xi32, #tpu.memory_space<vmem>> -> memref<128xi32, #tpu.memory_space<vmem>>
      %dma_start3A_45 = tpu.memref_slice %arg2[%select_n3A, %run_scoped3A_34, %mul3A_32] : memref<2x4x2048xi32, #tpu.memory_space<hbm>> -> memref<1x1x128xi32, #tpu.memory_space<hbm>>
      %dma_start3A_46 = tpu.memref_squeeze %dma_start3A_45 : memref<1x1x128xi32, #tpu.memory_space<hbm>> -> memref<128xi32, #tpu.memory_space<hbm>>
      %dma_start3A_47 = arith.constant 256 : i32
      %dma_start3A_48 = tpu.memref_slice %arg5[%dma_start3A_47] : memref<512xi32, #tpu.memory_space<vmem>> -> memref<128xi32, #tpu.memory_space<vmem>>
      %dma_start3A_49 = tpu.memref_slice %arg2[%select_n3A, %run_scoped3A_34, %mul3A_32] : memref<2x4x2048xi32, #tpu.memory_space<hbm>> -> memref<1x1x128xi32, #tpu.memory_space<hbm>>
      %dma_start3A_50 = tpu.memref_squeeze %dma_start3A_49 : memref<1x1x128xi32, #tpu.memory_space<hbm>> -> memref<128xi32, #tpu.memory_space<hbm>>
      tpu.enqueue_dma source(%dma_start3A_50 : memref<128xi32, #tpu.memory_space<hbm>>) target(%dma_start3A_48 : memref<128xi32, #tpu.memory_space<vmem>>) target_semaphore(%run_scoped3A_42 : memref<!tpu.dma_semaphore, #tpu.memory_space<semaphore_mem>>)
      %dma_wait3A_51 = arith.constant 256 : i32
      %dma_wait3A_52 = tpu.memref_slice %arg5[%dma_wait3A_51] : memref<512xi32, #tpu.memory_space<vmem>> -> memref<128xi32, #tpu.memory_space<vmem>>
      %dma_wait3A_53 = tpu.memref_slice %arg2[%select_n3A, %run_scoped3A_34, %mul3A_32] : memref<2x4x2048xi32, #tpu.memory_space<hbm>> -> memref<1x1x128xi32, #tpu.memory_space<hbm>>
      %dma_wait3A_54 = tpu.memref_squeeze %dma_wait3A_53 : memref<1x1x128xi32, #tpu.memory_space<hbm>> -> memref<128xi32, #tpu.memory_space<hbm>>
      %dma_wait3A_55 = arith.constant 256 : i32
      %dma_wait3A_56 = tpu.memref_slice %arg5[%dma_wait3A_55] : memref<512xi32, #tpu.memory_space<vmem>> -> memref<128xi32, #tpu.memory_space<vmem>>
      %dma_wait3A_57 = tpu.memref_slice %arg2[%select_n3A, %run_scoped3A_34, %mul3A_32] : memref<2x4x2048xi32, #tpu.memory_space<hbm>> -> memref<1x1x128xi32, #tpu.memory_space<hbm>>
      %dma_wait3A_58 = tpu.memref_squeeze %dma_wait3A_57 : memref<1x1x128xi32, #tpu.memory_space<hbm>> -> memref<128xi32, #tpu.memory_space<hbm>>
      tpu.wait_dma2 semaphore(%run_scoped3A_42 : memref<!tpu.dma_semaphore, #tpu.memory_space<semaphore_mem>>) src(%dma_wait3A_58 : memref<128xi32, #tpu.memory_space<hbm>>) dst(%dma_wait3A_56 : memref<128xi32, #tpu.memory_space<vmem>>)
      tpu.yield
    }) : () -> ()
    %run_scoped3A_35 = arith.constant 3 : i32
    "tpu.region"() ({
      %run_scoped3A_42 = tpu.sem_alloc : memref<!tpu.dma_semaphore, #tpu.memory_space<semaphore_mem>>
      %dma_start3A_43 = arith.constant 384 : i32
      %dma_start3A_44 = tpu.memref_slice %arg5[%dma_start3A_43] : memref<512xi32, #tpu.memory_space<vmem>> -> memref<128xi32, #tpu.memory_space<vmem>>
      %dma_start3A_45 = tpu.memref_slice %arg2[%select_n3A, %run_scoped3A_35, %mul3A_32] : memref<2x4x2048xi32, #tpu.memory_space<hbm>> -> memref<1x1x128xi32, #tpu.memory_space<hbm>>
      %dma_start3A_46 = tpu.memref_squeeze %dma_start3A_45 : memref<1x1x128xi32, #tpu.memory_space<hbm>> -> memref<128xi32, #tpu.memory_space<hbm>>
      %dma_start3A_47 = arith.constant 384 : i32
      %dma_start3A_48 = tpu.memref_slice %arg5[%dma_start3A_47] : memref<512xi32, #tpu.memory_space<vmem>> -> memref<128xi32, #tpu.memory_space<vmem>>
      %dma_start3A_49 = tpu.memref_slice %arg2[%select_n3A, %run_scoped3A_35, %mul3A_32] : memref<2x4x2048xi32, #tpu.memory_space<hbm>> -> memref<1x1x128xi32, #tpu.memory_space<hbm>>
      %dma_start3A_50 = tpu.memref_squeeze %dma_start3A_49 : memref<1x1x128xi32, #tpu.memory_space<hbm>> -> memref<128xi32, #tpu.memory_space<hbm>>
      tpu.enqueue_dma source(%dma_start3A_50 : memref<128xi32, #tpu.memory_space<hbm>>) target(%dma_start3A_48 : memref<128xi32, #tpu.memory_space<vmem>>) target_semaphore(%run_scoped3A_42 : memref<!tpu.dma_semaphore, #tpu.memory_space<semaphore_mem>>)
      %dma_wait3A_51 = arith.constant 384 : i32
      %dma_wait3A_52 = tpu.memref_slice %arg5[%dma_wait3A_51] : memref<512xi32, #tpu.memory_space<vmem>> -> memref<128xi32, #tpu.memory_space<vmem>>
      %dma_wait3A_53 = tpu.memref_slice %arg2[%select_n3A, %run_scoped3A_35, %mul3A_32] : memref<2x4x2048xi32, #tpu.memory_space<hbm>> -> memref<1x1x128xi32, #tpu.memory_space<hbm>>
      %dma_wait3A_54 = tpu.memref_squeeze %dma_wait3A_53 : memref<1x1x128xi32, #tpu.memory_space<hbm>> -> memref<128xi32, #tpu.memory_space<hbm>>
      %dma_wait3A_55 = arith.constant 384 : i32
      %dma_wait3A_56 = tpu.memref_slice %arg5[%dma_wait3A_55] : memref<512xi32, #tpu.memory_space<vmem>> -> memref<128xi32, #tpu.memory_space<vmem>>
      %dma_wait3A_57 = tpu.memref_slice %arg2[%select_n3A, %run_scoped3A_35, %mul3A_32] : memref<2x4x2048xi32, #tpu.memory_space<hbm>> -> memref<1x1x128xi32, #tpu.memory_space<hbm>>
      %dma_wait3A_58 = tpu.memref_squeeze %dma_wait3A_57 : memref<1x1x128xi32, #tpu.memory_space<hbm>> -> memref<128xi32, #tpu.memory_space<hbm>>
      tpu.wait_dma2 semaphore(%run_scoped3A_42 : memref<!tpu.dma_semaphore, #tpu.memory_space<semaphore_mem>>) src(%dma_wait3A_58 : memref<128xi32, #tpu.memory_space<hbm>>) dst(%dma_wait3A_56 : memref<128xi32, #tpu.memory_space<vmem>>)
      tpu.yield
    }) : () -> ()
    %dma_start3A = arith.constant 0 : i32
    %dma_start3A_36 = arith.constant 0 : i32
    %dma_start3A_37 = tpu.memref_slice %arg3[%dma_start3A, %dma_start3A_36] : memref<8192x64xf32, #tpu.memory_space<hbm>> -> memref<8192x64xf32, #tpu.memory_space<hbm>>
    tpu.enqueue_indirect_dma source(%dma_start3A_37 : memref<8192x64xf32, #tpu.memory_space<hbm>>) target(%arg6 : memref<512x64xf32, #tpu.memory_space<vmem>>) offsets(%arg5 : memref<512xi32, #tpu.memory_space<vmem>>) semaphore(%arg8 : memref<!tpu.dma_semaphore, #tpu.memory_space<semaphore_mem>>)
    %dma_wait3A = arith.constant 0 : i32
    %dma_wait3A_38 = arith.constant 0 : i32
    %dma_wait3A_39 = tpu.memref_slice %arg3[%dma_wait3A, %dma_wait3A_38] : memref<8192x64xf32, #tpu.memory_space<hbm>> -> memref<8192x64xf32, #tpu.memory_space<hbm>>
    tpu.wait_indirect_dma semaphore(%arg8 : memref<!tpu.dma_semaphore, #tpu.memory_space<semaphore_mem>>) src(%dma_wait3A_39 : memref<8192x64xf32, #tpu.memory_space<hbm>>) dst(%arg6 : memref<512x64xf32, #tpu.memory_space<vmem>>)
    %parallel_loop3A = arith.constant 0 : i32
    %parallel_loop3A_40 = arith.constant 128 : i32
    %parallel_loop3A_41 = arith.constant 1 : i32
    scf.for %parallel_loop3A_42 = %parallel_loop3A to %parallel_loop3A_40 step %parallel_loop3A_41  : i32 {
      %parallel_loop3A_43 = arith.index_cast %parallel_loop3A_42 : i32 to index
      %parallel_loop3A_44 = arith.constant 0 : index
      %parallel_loop3A_45 = tpu.vector_load %arg6[%parallel_loop3A_43, %parallel_loop3A_44] {strides = array<i32>} : memref<512x64xf32, #tpu.memory_space<vmem>>, vector<1x16xf32>,
      %parallel_loop3A_46 = vector.shape_cast %parallel_loop3A_45 : vector<1x16xf32> to vector<16xf32>
      %parallel_loop3A_47 = arith.constant 128 : i32
      %parallel_loop3A_48 = arith.addi %parallel_loop3A_42, %parallel_loop3A_47 : i32
      %parallel_loop3A_49 = arith.index_cast %parallel_loop3A_48 : i32 to index
      %parallel_loop3A_50 = arith.constant 0 : index
      %parallel_loop3A_51 = tpu.vector_load %arg6[%parallel_loop3A_49, %parallel_loop3A_50] {strides = array<i32>} : memref<512x64xf32, #tpu.memory_space<vmem>>, vector<1x16xf32>,
      %parallel_loop3A_52 = vector.shape_cast %parallel_loop3A_51 : vector<1x16xf32> to vector<16xf32>
      %parallel_loop3A_53 = arith.addf %parallel_loop3A_46, %parallel_loop3A_52 : vector<16xf32>
      %parallel_loop3A_54 = arith.constant 256 : i32
      %parallel_loop3A_55 = arith.addi %parallel_loop3A_42, %parallel_loop3A_54 : i32
      %parallel_loop3A_56 = arith.index_cast %parallel_loop3A_55 : i32 to index
      %parallel_loop3A_57 = arith.constant 0 : index
      %parallel_loop3A_58 = tpu.vector_load %arg6[%parallel_loop3A_56, %parallel_loop3A_57] {strides = array<i32>} : memref<512x64xf32, #tpu.memory_space<vmem>>, vector<1x16xf32>,
      %parallel_loop3A_59 = vector.shape_cast %parallel_loop3A_58 : vector<1x16xf32> to vector<16xf32>
      %parallel_loop3A_60 = arith.addf %parallel_loop3A_53, %parallel_loop3A_59 : vector<16xf32>
      %parallel_loop3A_61 = arith.constant 384 : i32
      %parallel_loop3A_62 = arith.addi %parallel_loop3A_42, %parallel_loop3A_61 : i32
      %parallel_loop3A_63 = arith.index_cast %parallel_loop3A_62 : i32 to index
      %parallel_loop3A_64 = arith.constant 0 : index
      %parallel_loop3A_65 = tpu.vector_load %arg6[%parallel_loop3A_63, %parallel_loop3A_64] {strides = array<i32>} : memref<512x64xf32, #tpu.memory_space<vmem>>, vector<1x16xf32>,
      %parallel_loop3A_66 = vector.shape_cast %parallel_loop3A_65 : vector<1x16xf32> to vector<16xf32>
      %parallel_loop3A_67 = arith.addf %parallel_loop3A_60, %parallel_loop3A_66 : vector<16xf32>
      %parallel_loop3A_68 = arith.constant 2.500000e-01 : f32
      %parallel_loop3A_69 = vector.broadcast %parallel_loop3A_68 : f32 to vector<16xf32>
      %parallel_loop3A_70 = arith.mulf %parallel_loop3A_67, %parallel_loop3A_69 : vector<16xf32>
      %parallel_loop3A_71 = arith.index_cast %parallel_loop3A_42 : i32 to index
      %parallel_loop3A_72 = arith.constant 0 : index
      %parallel_loop3A_73 = tpu.vector_load %arg7[%parallel_loop3A_71, %parallel_loop3A_72] {strides = array<i32>} : memref<128x64xf32, #tpu.memory_space<vmem>>, vector<1x16xf32>,
      %parallel_loop3A_74 = vector.shape_cast %parallel_loop3A_73 : vector<1x16xf32> to vector<16xf32>
      %parallel_loop3A_75 = vector.shape_cast %parallel_loop3A_70 : vector<16xf32> to vector<1x16xf32>
      tpu.vector_store %arg7[%parallel_loop3A_71, %parallel_loop3A_72], %parallel_loop3A_75 {strides = array<i32>} : memref<128x64xf32, #tpu.memory_space<vmem>>, vector<1x16xf32>,
      %parallel_loop3A_76 = arith.index_cast %parallel_loop3A_42 : i32 to index
      %parallel_loop3A_77 = arith.constant 16 : index
      %parallel_loop3A_78 = tpu.vector_load %arg6[%parallel_loop3A_76, %parallel_loop3A_77] {strides = array<i32>} : memref<512x64xf32, #tpu.memory_space<vmem>>, vector<1x16xf32>,
      %parallel_loop3A_79 = vector.shape_cast %parallel_loop3A_78 : vector<1x16xf32> to vector<16xf32>
      %parallel_loop3A_80 = arith.constant 128 : i32
      %parallel_loop3A_81 = arith.addi %parallel_loop3A_42, %parallel_loop3A_80 : i32
      %parallel_loop3A_82 = arith.index_cast %parallel_loop3A_81 : i32 to index
      %parallel_loop3A_83 = arith.constant 16 : index
      %parallel_loop3A_84 = tpu.vector_load %arg6[%parallel_loop3A_82, %parallel_loop3A_83] {strides = array<i32>} : memref<512x64xf32, #tpu.memory_space<vmem>>, vector<1x16xf32>,
      %parallel_loop3A_85 = vector.shape_cast %parallel_loop3A_84 : vector<1x16xf32> to vector<16xf32>
      %parallel_loop3A_86 = arith.addf %parallel_loop3A_79, %parallel_loop3A_85 : vector<16xf32>
      %parallel_loop3A_87 = arith.constant 256 : i32
      %parallel_loop3A_88 = arith.addi %parallel_loop3A_42, %parallel_loop3A_87 : i32
      %parallel_loop3A_89 = arith.index_cast %parallel_loop3A_88 : i32 to index
      %parallel_loop3A_90 = arith.constant 16 : index
      %parallel_loop3A_91 = tpu.vector_load %arg6[%parallel_loop3A_89, %parallel_loop3A_90] {strides = array<i32>} : memref<512x64xf32, #tpu.memory_space<vmem>>, vector<1x16xf32>,
      %parallel_loop3A_92 = vector.shape_cast %parallel_loop3A_91 : vector<1x16xf32> to vector<16xf32>
      %parallel_loop3A_93 = arith.addf %parallel_loop3A_86, %parallel_loop3A_92 : vector<16xf32>
      %parallel_loop3A_94 = arith.constant 384 : i32
      %parallel_loop3A_95 = arith.addi %parallel_loop3A_42, %parallel_loop3A_94 : i32
      %parallel_loop3A_96 = arith.index_cast %parallel_loop3A_95 : i32 to index
      %parallel_loop3A_97 = arith.constant 16 : index
      %parallel_loop3A_98 = tpu.vector_load %arg6[%parallel_loop3A_96, %parallel_loop3A_97] {strides = array<i32>} : memref<512x64xf32, #tpu.memory_space<vmem>>, vector<1x16xf32>,
      %parallel_loop3A_99 = vector.shape_cast %parallel_loop3A_98 : vector<1x16xf32> to vector<16xf32>
      %parallel_loop3A_100 = arith.addf %parallel_loop3A_93, %parallel_loop3A_99 : vector<16xf32>
      %parallel_loop3A_101 = arith.constant 2.500000e-01 : f32
      %parallel_loop3A_102 = vector.broadcast %parallel_loop3A_101 : f32 to vector<16xf32>
      %parallel_loop3A_103 = arith.mulf %parallel_loop3A_100, %parallel_loop3A_102 : vector<16xf32>
      %parallel_loop3A_104 = arith.index_cast %parallel_loop3A_42 : i32 to index
      %parallel_loop3A_105 = arith.constant 16 : index
      %parallel_loop3A_106 = tpu.vector_load %arg7[%parallel_loop3A_104, %parallel_loop3A_105] {strides = array<i32>} : memref<128x64xf32, #tpu.memory_space<vmem>>, vector<1x16xf32>,
      %parallel_loop3A_107 = vector.shape_cast %parallel_loop3A_106 : vector<1x16xf32> to vector<16xf32>
      %parallel_loop3A_108 = vector.shape_cast %parallel_loop3A_103 : vector<16xf32> to vector<1x16xf32>
      tpu.vector_store %arg7[%parallel_loop3A_104, %parallel_loop3A_105], %parallel_loop3A_108 {strides = array<i32>} : memref<128x64xf32, #tpu.memory_space<vmem>>, vector<1x16xf32>,
      %parallel_loop3A_109 = arith.index_cast %parallel_loop3A_42 : i32 to index
      %parallel_loop3A_110 = arith.constant 32 : index
      %parallel_loop3A_111 = tpu.vector_load %arg6[%parallel_loop3A_109, %parallel_loop3A_110] {strides = array<i32>} : memref<512x64xf32, #tpu.memory_space<vmem>>, vector<1x16xf32>,
      %parallel_loop3A_112 = vector.shape_cast %parallel_loop3A_111 : vector<1x16xf32> to vector<16xf32>
      %parallel_loop3A_113 = arith.constant 128 : i32
      %parallel_loop3A_114 = arith.addi %parallel_loop3A_42, %parallel_loop3A_113 : i32
      %parallel_loop3A_115 = arith.index_cast %parallel_loop3A_114 : i32 to index
      %parallel_loop3A_116 = arith.constant 32 : index
      %parallel_loop3A_117 = tpu.vector_load %arg6[%parallel_loop3A_115, %parallel_loop3A_116] {strides = array<i32>} : memref<512x64xf32, #tpu.memory_space<vmem>>, vector<1x16xf32>,
      %parallel_loop3A_118 = vector.shape_cast %parallel_loop3A_117 : vector<1x16xf32> to vector<16xf32>
      %parallel_loop3A_119 = arith.addf %parallel_loop3A_112, %parallel_loop3A_118 : vector<16xf32>
      %parallel_loop3A_120 = arith.constant 256 : i32
      %parallel_loop3A_121 = arith.addi %parallel_loop3A_42, %parallel_loop3A_120 : i32
      %parallel_loop3A_122 = arith.index_cast %parallel_loop3A_121 : i32 to index
      %parallel_loop3A_123 = arith.constant 32 : index
      %parallel_loop3A_124 = tpu.vector_load %arg6[%parallel_loop3A_122, %parallel_loop3A_123] {strides = array<i32>} : memref<512x64xf32, #tpu.memory_space<vmem>>, vector<1x16xf32>,
      %parallel_loop3A_125 = vector.shape_cast %parallel_loop3A_124 : vector<1x16xf32> to vector<16xf32>
      %parallel_loop3A_126 = arith.addf %parallel_loop3A_119, %parallel_loop3A_125 : vector<16xf32>
      %parallel_loop3A_127 = arith.constant 384 : i32
      %parallel_loop3A_128 = arith.addi %parallel_loop3A_42, %parallel_loop3A_127 : i32
      %parallel_loop3A_129 = arith.index_cast %parallel_loop3A_128 : i32 to index
      %parallel_loop3A_130 = arith.constant 32 : index
      %parallel_loop3A_131 = tpu.vector_load %arg6[%parallel_loop3A_129, %parallel_loop3A_130] {strides = array<i32>} : memref<512x64xf32, #tpu.memory_space<vmem>>, vector<1x16xf32>,
      %parallel_loop3A_132 = vector.shape_cast %parallel_loop3A_131 : vector<1x16xf32> to vector<16xf32>
      %parallel_loop3A_133 = arith.addf %parallel_loop3A_126, %parallel_loop3A_132 : vector<16xf32>
      %parallel_loop3A_134 = arith.constant 2.500000e-01 : f32
      %parallel_loop3A_135 = vector.broadcast %parallel_loop3A_134 : f32 to vector<16xf32>
      %parallel_loop3A_136 = arith.mulf %parallel_loop3A_133, %parallel_loop3A_135 : vector<16xf32>
      %parallel_loop3A_137 = arith.index_cast %parallel_loop3A_42 : i32 to index
      %parallel_loop3A_138 = arith.constant 32 : index
      %parallel_loop3A_139 = tpu.vector_load %arg7[%parallel_loop3A_137, %parallel_loop3A_138] {strides = array<i32>} : memref<128x64xf32, #tpu.memory_space<vmem>>, vector<1x16xf32>,
      %parallel_loop3A_140 = vector.shape_cast %parallel_loop3A_139 : vector<1x16xf32> to vector<16xf32>
      %parallel_loop3A_141 = vector.shape_cast %parallel_loop3A_136 : vector<16xf32> to vector<1x16xf32>
      tpu.vector_store %arg7[%parallel_loop3A_137, %parallel_loop3A_138], %parallel_loop3A_141 {strides = array<i32>} : memref<128x64xf32, #tpu.memory_space<vmem>>, vector<1x16xf32>,
      %parallel_loop3A_142 = arith.index_cast %parallel_loop3A_42 : i32 to index
      %parallel_loop3A_143 = arith.constant 48 : index
      %parallel_loop3A_144 = tpu.vector_load %arg6[%parallel_loop3A_142, %parallel_loop3A_143] {strides = array<i32>} : memref<512x64xf32, #tpu.memory_space<vmem>>, vector<1x16xf32>,
      %parallel_loop3A_145 = vector.shape_cast %parallel_loop3A_144 : vector<1x16xf32> to vector<16xf32>
      %parallel_loop3A_146 = arith.constant 128 : i32
      %parallel_loop3A_147 = arith.addi %parallel_loop3A_42, %parallel_loop3A_146 : i32
      %parallel_loop3A_148 = arith.index_cast %parallel_loop3A_147 : i32 to index
      %parallel_loop3A_149 = arith.constant 48 : index
      %parallel_loop3A_150 = tpu.vector_load %arg6[%parallel_loop3A_148, %parallel_loop3A_149] {strides = array<i32>} : memref<512x64xf32, #tpu.memory_space<vmem>>, vector<1x16xf32>,
      %parallel_loop3A_151 = vector.shape_cast %parallel_loop3A_150 : vector<1x16xf32> to vector<16xf32>
      %parallel_loop3A_152 = arith.addf %parallel_loop3A_145, %parallel_loop3A_151 : vector<16xf32>
      %parallel_loop3A_153 = arith.constant 256 : i32
      %parallel_loop3A_154 = arith.addi %parallel_loop3A_42, %parallel_loop3A_153 : i32
      %parallel_loop3A_155 = arith.index_cast %parallel_loop3A_154 : i32 to index
      %parallel_loop3A_156 = arith.constant 48 : index
      %parallel_loop3A_157 = tpu.vector_load %arg6[%parallel_loop3A_155, %parallel_loop3A_156] {strides = array<i32>} : memref<512x64xf32, #tpu.memory_space<vmem>>, vector<1x16xf32>,
      %parallel_loop3A_158 = vector.shape_cast %parallel_loop3A_157 : vector<1x16xf32> to vector<16xf32>
      %parallel_loop3A_159 = arith.addf %parallel_loop3A_152, %parallel_loop3A_158 : vector<16xf32>
      %parallel_loop3A_160 = arith.constant 384 : i32
      %parallel_loop3A_161 = arith.addi %parallel_loop3A_42, %parallel_loop3A_160 : i32
      %parallel_loop3A_162 = arith.index_cast %parallel_loop3A_161 : i32 to index
      %parallel_loop3A_163 = arith.constant 48 : index
      %parallel_loop3A_164 = tpu.vector_load %arg6[%parallel_loop3A_162, %parallel_loop3A_163] {strides = array<i32>} : memref<512x64xf32, #tpu.memory_space<vmem>>, vector<1x16xf32>,
      %parallel_loop3A_165 = vector.shape_cast %parallel_loop3A_164 : vector<1x16xf32> to vector<16xf32>
      %parallel_loop3A_166 = arith.addf %parallel_loop3A_159, %parallel_loop3A_165 : vector<16xf32>
      %parallel_loop3A_167 = arith.constant 2.500000e-01 : f32
      %parallel_loop3A_168 = vector.broadcast %parallel_loop3A_167 : f32 to vector<16xf32>
      %parallel_loop3A_169 = arith.mulf %parallel_loop3A_166, %parallel_loop3A_168 : vector<16xf32>
      %parallel_loop3A_170 = arith.index_cast %parallel_loop3A_42 : i32 to index
      %parallel_loop3A_171 = arith.constant 48 : index
      %parallel_loop3A_172 = tpu.vector_load %arg7[%parallel_loop3A_170, %parallel_loop3A_171] {strides = array<i32>} : memref<128x64xf32, #tpu.memory_space<vmem>>, vector<1x16xf32>,
      %parallel_loop3A_173 = vector.shape_cast %parallel_loop3A_172 : vector<1x16xf32> to vector<16xf32>
      %parallel_loop3A_174 = vector.shape_cast %parallel_loop3A_169 : vector<16xf32> to vector<1x16xf32>
      tpu.vector_store %arg7[%parallel_loop3A_170, %parallel_loop3A_171], %parallel_loop3A_174 {strides = array<i32>} : memref<128x64xf32, #tpu.memory_space<vmem>>, vector<1x16xf32>,
    } {sc.loop_unroll_factor = 8 : i64, sc.parallel_access}
    "tpu.region"() ({
      %run_scoped3A_42 = tpu.sem_alloc : memref<!tpu.dma_semaphore, #tpu.memory_space<semaphore_mem>>
      %dma_start3A_43 = arith.constant 0 : i32
      %dma_start3A_44 = tpu.memref_slice %arg4[%select_n3A, %mul3A_32, %dma_start3A_43] : memref<2x2048x64xf32, #tpu.memory_space<hbm>> -> memref<1x128x64xf32, #tpu.memory_space<hbm>>
      %dma_start3A_45 = tpu.memref_squeeze %dma_start3A_44 : memref<1x128x64xf32, #tpu.memory_space<hbm>> -> memref<128x64xf32, #tpu.memory_space<hbm>>
      %dma_start3A_46 = arith.constant 0 : i32
      %dma_start3A_47 = tpu.memref_slice %arg4[%select_n3A, %mul3A_32, %dma_start3A_46] : memref<2x2048x64xf32, #tpu.memory_space<hbm>> -> memref<1x128x64xf32, #tpu.memory_space<hbm>>
      %dma_start3A_48 = tpu.memref_squeeze %dma_start3A_47 : memref<1x128x64xf32, #tpu.memory_space<hbm>> -> memref<128x64xf32, #tpu.memory_space<hbm>>
      tpu.enqueue_dma source(%arg7 : memref<128x64xf32, #tpu.memory_space<vmem>>) target(%dma_start3A_48 : memref<128x64xf32, #tpu.memory_space<hbm>>) target_semaphore(%run_scoped3A_42 : memref<!tpu.dma_semaphore, #tpu.memory_space<semaphore_mem>>)
      %dma_wait3A_49 = arith.constant 0 : i32
      %dma_wait3A_50 = tpu.memref_slice %arg4[%select_n3A, %mul3A_32, %dma_wait3A_49] : memref<2x2048x64xf32, #tpu.memory_space<hbm>> -> memref<1x128x64xf32, #tpu.memory_space<hbm>>
      %dma_wait3A_51 = tpu.memref_squeeze %dma_wait3A_50 : memref<1x128x64xf32, #tpu.memory_space<hbm>> -> memref<128x64xf32, #tpu.memory_space<hbm>>
      %dma_wait3A_52 = arith.constant 0 : i32
      %dma_wait3A_53 = tpu.memref_slice %arg4[%select_n3A, %mul3A_32, %dma_wait3A_52] : memref<2x2048x64xf32, #tpu.memory_space<hbm>> -> memref<1x128x64xf32, #tpu.memory_space<hbm>>
      %dma_wait3A_54 = tpu.memref_squeeze %dma_wait3A_53 : memref<1x128x64xf32, #tpu.memory_space<hbm>> -> memref<128x64xf32, #tpu.memory_space<hbm>>
      tpu.wait_dma2 semaphore(%run_scoped3A_42 : memref<!tpu.dma_semaphore, #tpu.memory_space<semaphore_mem>>) src(%arg7 : memref<128x64xf32, #tpu.memory_space<vmem>>) dst(%dma_wait3A_54 : memref<128x64xf32, #tpu.memory_space<hbm>>)
      tpu.yield
    }) : () -> ()
    return
  }
}

module attributes {stable_mosaic.version = 14 : i64} {
  func.func @_argmin_body(%arg0: i32, %arg1: i32, %arg2: i32, %arg3: memref<1x64x2048xf32, #tpu.memory_space<vmem>>, %arg4: memref<1x1x2048xf32, #tpu.memory_space<vmem>>, %arg5: memref<1x1x1024x1xf32, #tpu.memory_space<vmem>>, %arg6: memref<1x1024x64xf32, #tpu.memory_space<vmem>>, %arg7: memref<1x1x1x2048xi32, #tpu.memory_space<vmem>>, %arg8: memref<1x2048xf32, #tpu.memory_space<vmem>>, %arg9: memref<1x2048xi32, #tpu.memory_space<vmem>>) attributes {dimension_semantics = [#tpu.dimension_semantics<arbitrary>, #tpu.dimension_semantics<arbitrary>, #tpu.dimension_semantics<arbitrary>], iteration_bounds = array<i64: 2, 4, 8>, scalar_prefetch = 0 : i64, scratch_operands = 2 : i64, tpu.core_type = #tpu.core_type<tc>, window_params = [{transform_indices = @transform_0, window_bounds = array<i64: 1, 64, 2048>}, {transform_indices = @transform_1, window_bounds = array<i64: 1, 1, 2048>}, {transform_indices = @transform_2, window_bounds = array<i64: 1, 1, 1024, 1>}, {transform_indices = @transform_3, window_bounds = array<i64: 1, 1024, 64>}, {transform_indices = @transform_4, window_bounds = array<i64: 1, 1, 1, 2048>}]} {
    %get3A = arith.constant 0 : index
    %get3A_0 = arith.constant 0 : index
    %get3A_1 = arith.constant 0 : index
    %get3A_2 = vector.load %arg3[%get3A, %get3A_0, %get3A_1] : memref<1x64x2048xf32, #tpu.memory_space<vmem>>, vector<1x64x2048xf32>
    %get3A_3 = vector.shape_cast %get3A_2 : vector<1x64x2048xf32> to vector<64x2048xf32>
    %get3A_4 = arith.constant 0 : index
    %get3A_5 = arith.constant 0 : index
    %get3A_6 = arith.constant 0 : index
    %get3A_7 = vector.load %arg6[%get3A_4, %get3A_5, %get3A_6] : memref<1x1024x64xf32, #tpu.memory_space<vmem>>, vector<1x1024x64xf32>
    %get3A_8 = vector.shape_cast %get3A_7 : vector<1x1024x64xf32> to vector<1024x64xf32>
    %get3A_9 = arith.constant 0 : index
    %get3A_10 = arith.constant 0 : index
    %get3A_11 = arith.constant 0 : index
    %get3A_12 = vector.load %arg4[%get3A_9, %get3A_10, %get3A_11] : memref<1x1x2048xf32, #tpu.memory_space<vmem>>, vector<1x1x2048xf32>
    %get3A_13 = vector.shape_cast %get3A_12 : vector<1x1x2048xf32> to vector<1x2048xf32>
    %get3A_14 = arith.constant 0 : index
    %get3A_15 = arith.constant 0 : index
    %get3A_16 = arith.constant 0 : index
    %get3A_17 = arith.constant 0 : index
    %get3A_18 = vector.load %arg5[%get3A_14, %get3A_15, %get3A_16, %get3A_17] : memref<1x1x1024x1xf32, #tpu.memory_space<vmem>>, vector<1x1x1024x1xf32>
    %get3A_19 = vector.shape_cast %get3A_18 : vector<1x1x1024x1xf32> to vector<1024x1xf32>
    %convert_element_type3A = arith.truncf %get3A_8 : vector<1024x64xf32> to vector<1024x64xbf16>
    %convert_element_type3A_20 = arith.truncf %get3A_3 : vector<64x2048xf32> to vector<64x2048xbf16>
    %dot_general3A = arith.constant dense<0.000000e+00> : vector<1024x2048xf32>
    %dot_general3A_21 = tpu.matmul %convert_element_type3A, %convert_element_type3A_20, %dot_general3A {dimension_numbers = #tpu.dot_dimension_numbers<[1], [0], [0], [1], [0, 0, 1, 1], [], []>, transpose_lhs_hint = false} : vector<1024x64xbf16>, vector<64x2048xbf16>, vector<1024x2048xf32> -> vector<1024x2048xf32>
    %mul3A = arith.constant 2.000000e+00 : f32
    %mul3A_22 = vector.broadcast %mul3A : f32 to vector<1024x2048xf32>
    %mul3A_23 = arith.mulf %mul3A_22, %dot_general3A_21 : vector<1024x2048xf32>
    %add3A = vector.broadcast %get3A_13 : vector<1x2048xf32> to vector<1024x2048xf32>
    %add3A_24 = vector.broadcast %get3A_19 : vector<1024x1xf32> to vector<1024x2048xf32>
    %add3A_25 = arith.addf %add3A, %add3A_24 : vector<1024x2048xf32>
    %sub3A = arith.subf %add3A_25, %mul3A_23 : vector<1024x2048xf32>
    %reduce_min3A = arith.constant dense<0x7F800000> : vector<2048xf32>
    %reduce_min3A_26 = vector.multi_reduction <minimumf>, %sub3A, %reduce_min3A [0] : vector<1024x2048xf32> to vector<2048xf32>
    %broadcast_in_dim3A = vector.shape_cast %reduce_min3A_26 : vector<2048xf32> to vector<1x2048xf32>
    %iota3A = tpu.iota {dimensions = array<i32: 0>} : vector<1024x2048xi32>
    %mul3A_27 = arith.constant 1024 : i32
    %mul3A_28 = arith.muli %arg2, %mul3A_27 : i32
    %add3A_29 = vector.broadcast %mul3A_28 : i32 to vector<1024x2048xi32>
    %add3A_30 = arith.addi %iota3A, %add3A_29 : vector<1024x2048xi32>
    %eq3A = vector.broadcast %broadcast_in_dim3A : vector<1x2048xf32> to vector<1024x2048xf32>
    %eq3A_31 = arith.cmpf oeq, %sub3A, %eq3A : vector<1024x2048xf32>
    %jit3A = arith.constant 1073741824 : i32
    %broadcast_in_dim3A_32 = vector.broadcast %jit3A : i32 to vector<1024x2048xi32>
    %select_n3A = arith.select %eq3A_31, %add3A_30, %broadcast_in_dim3A_32 : vector<1024x2048xi1>, vector<1024x2048xi32>
    %reduce_min3A_33 = arith.constant dense<2147483647> : vector<2048xi32>
    %reduce_min3A_34 = vector.multi_reduction <minsi>, %select_n3A, %reduce_min3A_33 [0] : vector<1024x2048xi32> to vector<2048xi32>
    %broadcast_in_dim3A_35 = vector.shape_cast %reduce_min3A_34 : vector<2048xi32> to vector<1x2048xi32>
    %eq3A_36 = arith.constant 0 : i32
    %eq3A_37 = arith.cmpi eq, %arg2, %eq3A_36 : i32
    %convert_element_type3A_38 = arith.extui %eq3A_37 : i1 to i32
    %cond3A = arith.constant 0 : i32
    %cond3A_39 = arith.cmpi ne, %convert_element_type3A_38, %cond3A : i32
    scf.if %cond3A_39 {
      %swap3A = arith.constant 0 : index
      %swap3A_49 = arith.constant 0 : index
      %swap3A_50 = vector.load %arg8[%swap3A, %swap3A_49] : memref<1x2048xf32, #tpu.memory_space<vmem>>, vector<1x2048xf32>
      tpu.vector_store %arg8[%swap3A, %swap3A_49], %broadcast_in_dim3A {strides = array<i32>} : memref<1x2048xf32, #tpu.memory_space<vmem>>, vector<1x2048xf32>,
      %swap3A_51 = arith.constant 0 : index
      %swap3A_52 = arith.constant 0 : index
      %swap3A_53 = vector.load %arg9[%swap3A_51, %swap3A_52] : memref<1x2048xi32, #tpu.memory_space<vmem>>, vector<1x2048xi32>
      tpu.vector_store %arg9[%swap3A_51, %swap3A_52], %broadcast_in_dim3A_35 {strides = array<i32>} : memref<1x2048xi32, #tpu.memory_space<vmem>>, vector<1x2048xi32>,
    } else {
    }
    %ne3A = arith.constant 0 : i32
    %ne3A_40 = arith.cmpi ne, %arg2, %ne3A : i32
    %convert_element_type3A_41 = arith.extui %ne3A_40 : i1 to i32
    %cond3A_42 = arith.constant 0 : i32
    %cond3A_43 = arith.cmpi ne, %convert_element_type3A_41, %cond3A_42 : i32
    scf.if %cond3A_43 {
      %get3A_49 = arith.constant 0 : index
      %get3A_50 = arith.constant 0 : index
      %get3A_51 = vector.load %arg8[%get3A_49, %get3A_50] : memref<1x2048xf32, #tpu.memory_space<vmem>>, vector<1x2048xf32>
      %lt3A = arith.cmpf olt, %broadcast_in_dim3A, %get3A_51 : vector<1x2048xf32>
      %get3A_52 = arith.constant 0 : index
      %get3A_53 = arith.constant 0 : index
      %get3A_54 = vector.load %arg8[%get3A_52, %get3A_53] : memref<1x2048xf32, #tpu.memory_space<vmem>>, vector<1x2048xf32>
      %select_n3A_55 = arith.select %lt3A, %broadcast_in_dim3A, %get3A_54 : vector<1x2048xi1>, vector<1x2048xf32>
      %swap3A = arith.constant 0 : index
      %swap3A_56 = arith.constant 0 : index
      %swap3A_57 = vector.load %arg8[%swap3A, %swap3A_56] : memref<1x2048xf32, #tpu.memory_space<vmem>>, vector<1x2048xf32>
      tpu.vector_store %arg8[%swap3A, %swap3A_56], %select_n3A_55 {strides = array<i32>} : memref<1x2048xf32, #tpu.memory_space<vmem>>, vector<1x2048xf32>,
      %get3A_58 = arith.constant 0 : index
      %get3A_59 = arith.constant 0 : index
      %get3A_60 = vector.load %arg9[%get3A_58, %get3A_59] : memref<1x2048xi32, #tpu.memory_space<vmem>>, vector<1x2048xi32>
      %select_n3A_61 = arith.select %lt3A, %broadcast_in_dim3A_35, %get3A_60 : vector<1x2048xi1>, vector<1x2048xi32>
      %swap3A_62 = arith.constant 0 : index
      %swap3A_63 = arith.constant 0 : index
      %swap3A_64 = vector.load %arg9[%swap3A_62, %swap3A_63] : memref<1x2048xi32, #tpu.memory_space<vmem>>, vector<1x2048xi32>
      tpu.vector_store %arg9[%swap3A_62, %swap3A_63], %select_n3A_61 {strides = array<i32>} : memref<1x2048xi32, #tpu.memory_space<vmem>>, vector<1x2048xi32>,
    } else {
    }
    %eq3A_44 = arith.constant 7 : i32
    %eq3A_45 = arith.cmpi eq, %arg2, %eq3A_44 : i32
    %convert_element_type3A_46 = arith.extui %eq3A_45 : i1 to i32
    %cond3A_47 = arith.constant 0 : i32
    %cond3A_48 = arith.cmpi ne, %convert_element_type3A_46, %cond3A_47 : i32
    scf.if %cond3A_48 {
      %get3A_49 = arith.constant 0 : index
      %get3A_50 = arith.constant 0 : index
      %get3A_51 = vector.load %arg9[%get3A_49, %get3A_50] : memref<1x2048xi32, #tpu.memory_space<vmem>>, vector<1x2048xi32>
      %swap3A = arith.constant 0 : index
      %swap3A_52 = arith.constant 0 : index
      %swap3A_53 = arith.constant 0 : index
      %swap3A_54 = arith.constant 0 : index
      %swap3A_55 = vector.load %arg7[%swap3A, %swap3A_52, %swap3A_53, %swap3A_54] : memref<1x1x1x2048xi32, #tpu.memory_space<vmem>>, vector<1x1x1x2048xi32>
      %swap3A_56 = vector.shape_cast %swap3A_55 : vector<1x1x1x2048xi32> to vector<1x2048xi32>
      %swap3A_57 = vector.shape_cast %get3A_51 : vector<1x2048xi32> to vector<1x1x1x2048xi32>
      tpu.vector_store %arg7[%swap3A, %swap3A_52, %swap3A_53, %swap3A_54], %swap3A_57 {strides = array<i32>} : memref<1x1x1x2048xi32, #tpu.memory_space<vmem>>, vector<1x1x1x2048xi32>,
    } else {
    }
    return
  }
  func.func @transform_0(%arg0: i32, %arg1: i32, %arg2: i32) -> (i32, i32, i32) {
    %c0_i32 = arith.constant 0 : i32
    %c0_i32_0 = arith.constant 0 : i32
    %c0_i32_1 = arith.constant 0 : i32
    return %arg0, %c0_i32, %c0_i32_0 : i32, i32, i32
  }
  func.func @transform_1(%arg0: i32, %arg1: i32, %arg2: i32) -> (i32, i32, i32) {
    %c0_i32 = arith.constant 0 : i32
    %c0_i32_0 = arith.constant 0 : i32
    %c0_i32_1 = arith.constant 0 : i32
    return %arg0, %c0_i32, %c0_i32_0 : i32, i32, i32
  }
  func.func @transform_2(%arg0: i32, %arg1: i32, %arg2: i32) -> (i32, i32, i32, i32) {
    %c0_i32 = arith.constant 0 : i32
    %c0_i32_0 = arith.constant 0 : i32
    %c0_i32_1 = arith.constant 0 : i32
    return %arg1, %arg2, %c0_i32, %c0_i32_0 : i32, i32, i32, i32
  }
  func.func @transform_3(%arg0: i32, %arg1: i32, %arg2: i32) -> (i32, i32, i32) {
    %c0_i32 = arith.constant 0 : i32
    %c0_i32_0 = arith.constant 0 : i32
    return %arg1, %arg2, %c0_i32 : i32, i32, i32
  }
  func.func @transform_4(%arg0: i32, %arg1: i32, %arg2: i32) -> (i32, i32, i32, i32) {
    %c0_i32 = arith.constant 0 : i32
    %c0_i32_0 = arith.constant 0 : i32
    %c0_i32_1 = arith.constant 0 : i32
    return %arg0, %arg1, %c0_i32, %c0_i32_0 : i32, i32, i32, i32
  }
}

</mosaic_0001>

<sc_bundles>
// kernel: kernel.4.cloned.1.call-start
scs
__scs_entry_jumppad:
0x0: {  	(pc) =	sbr.rel $0x88, $3  }
0x1: {  	(tag) =	ssettag $0x0;
	lr =	simm.s32 $0x1  }
0x2: {  	[smem:$0x3F98] =	sst lr;
	_ =	strace $0xD0000000  }
0x3: {  	_ = 	snop  }
0x4: {  	_ = 	snop  }
0x5: {  	_ = 	snop  }
0x6: {  	_ = 	snop  }
0x7: {  	_ = 	snop  }
__scs_overlays_trampoline_lowered:
0x8: {  	[smem:$0x3FA7] =	sst s0  }
0x9: {  	[smem:$0x3FA8] =	sst s1  }
0xa: {  	[smem:$0x3FA9] =	sst s2  }
0xb: {  	[smem:$0x3FAA] =	sst s3  }
0xc: {  	[smem:$0x3FAB] =	sst s4  }
0xd: {  	[smem:$0x3FAC] =	sst s5  }
0xe: {  	[smem:$0x3FAD] =	sst s6  }
0xf: {  	[smem:$0x3FAE] =	sst s7  }
0x10: {  	[smem:$0x3FAF] =	sst s8  }
0x11: {  	[smem:$0x3FB0] =	sst s9;
	s0 =	simm.s32 @!p0 $0x0  }
0x12: {  	s1 =	sld [smem:$0x3F96];
	s0 =	simm.s32 @p0 $0x1  }
0x13: {  	[smem:$0x3FB1] =	sst s0;
	s0 =	simm.s32 @!p1 $0x0  }
0x14: {  	s2 =	sld [smem:$0x3F95];
	s0 =	simm.s32 @p1 $0x1  }
0x15: {  	[smem:$0x3FB2] =	sst s0;
	s0 =	simm.s32 @!p2 $0x0  }
0x16: {  	s3 =	sld [smem:$0x3FDB];
	s0 =	simm.s32 @p2 $0x1  }
0x17: {  	s4 =	simm.s32 $0x1BF5;
	[smem:$0x3FB4] =	sst s0  }
0x18: {  	s0 =	sld [smem:$0x3F97];
	_ =	swait.ge [sflag:s4], $0x0  }
0x19: {  	s7 =	sld [smem:$0x3F98]  }
0x1a: {  	s8 =	sadd.s32 $0xFFFFE003, lr  }
0x1b: {  	s9 =	sadd.s32 $0xFFFFFEF7, lr;
	s5 =	simm.s32 $0xFFFFFFFF;
	p2 =	slt.u32 s8, $0xFFFFF086  }
0x1c: {  	p1 =	slt.u32 s9, $0xF7A;
	s5 =	simm.s32 @!p2 $0x0  }
0x1d: {  	s5 =	simm.s32 @p1 $0x1;
	p0 =	seq.s32 s7, s2  }
0x1e: {  	s7 =	smul.u32 @!p0 $0xF7A, s2;
	p2 =	seq.s32 @!p0 s5, $0x0  }
0x1f: {  	s9 =	smul.u32 $0xF7A, s1;
	s8 =	simm.s32 @!p0 $0x1BF5;
	p2 =	por !p2, p0  }
0x20: {  	[sflag:s8] =	ssyncset.s32 @!p0 $0xFFFFF086;
	s6 =	sadd.s32 @!p0 s3, s7;
	s7 =	simm.s32 @!p0 $0x108  }
0x21: {  	s3 =	sadd.s32 s3, s9;
	s6 =	sadd.s32 @!p0 $0x88, s6;
	s7 =	simm.s32 @p2 $0x1082  }
0x22: {  	[simem:s7], [sflag:s8] =	dma.local @!p0 [hbm:s6], $0xF7A  }
0x23: {  	s9 =	sor.u32 $0xD0000000, s2;
	s6 =	simm.s32 $0x108;
	_ =	swait.ge @!p0 [sflag:s8], $0x0  }
0x24: {  	s3 =	sadd.s32 $0x88, s3;
	s6 =	simm.s32 @!p1 $0x1082;
	[sflag:s4] =	ssyncset.s32 $0xFFFFF086  }
0x25: {  	[simem:s6], [sflag:s4] =	dma.local [hbm:s3], $0xF7A  }
0x26: {  	[smem:$0x3F98] =	sst s1;
	(tag) =	ssettag s2;
	_ =	strace s9  }
0x27: {  	s1 =	sld [smem:$0x3FA8]  }
0x28: {  	s2 =	sld [smem:$0x3FA9]  }
0x29: {  	s4 =	sld [smem:$0x3FAB]  }
0x2a: {  	p0 =	seq.s32 s5, $0x0;
	s5 =	sld [smem:$0x3FAC]  }
0x2b: {  	s6 =	sld [smem:$0x3FAD]  }
0x2c: {  	s7 =	sld [smem:$0x3FAE]  }
0x2d: {  	s3 =	simm.s32 $0x108;
	s8 =	sld [smem:$0x3FAF]  }
0x2e: {  	s3 =	simm.s32 @!p0 $0x1082;
	s9 =	sld [smem:$0x3FB0]  }
0x2f: {  	lr =	sadd.s32 s0, s3;
	s0 =	sld [smem:$0x3FA7]  }
0x30: {  	s3 =	sld [smem:$0x3FAA]  }
0x31: {  	[smem:$0x3FB3] =	sst s10  }
0x32: {  	s10 =	sld [smem:$0x3FB1];
	_ =	sdelay $0x3  }
0x33: {  	p0 =	seq.s32 s10, $0x1;
	s10 =	sld [smem:$0x3FB3];
	_ =	sdelay $0x3  }
0x34: {  	[smem:$0x3FB3] =	sst s10  }
0x35: {  	s10 =	sld [smem:$0x3FB2];
	_ =	sdelay $0x3  }
0x36: {  	p1 =	seq.s32 s10, $0x1;
	s10 =	sld [smem:$0x3FB3];
	_ =	sdelay $0x3  }
0x37: {  	[smem:$0x3FB3] =	sst s10  }
0x38: {  	s10 =	sld [smem:$0x3FB4]  }
0x39: {  	_ = 	snop;
	(pc) =	sbr.ind lr, $3  }
0x3a: {  	_ = 	snop  }
0x3b: {  	_ = 	snop  }
0x3c: {  	p2 =	seq.s32 s10, $0x1;
	s10 =	sld [smem:$0x3FB3]  }
0x3d: {  	_ =	shalt  }
0x3e: {  	_ =	shalt  }
0x3f: {  	_ =	shalt  }
0x40: {  	_ =	shalt  }
0x41: {  	_ =	shalt  }
0x42: {  	_ =	shalt  }
0x43: {  	_ =	shalt  }
0x44: {  	_ =	shalt  }
0x45: {  	_ =	shalt  }
0x46: {  	_ =	shalt  }
0x47: {  	_ =	shalt  }
0x48: {  	_ =	shalt  }
0x49: {  	_ =	shalt  }
0x4a: {  	_ =	shalt  }
0x4b: {  	_ =	shalt  }
0x4c: {  	_ =	shalt  }
0x4d: {  	_ =	shalt  }
0x4e: {  	_ =	shalt  }
0x4f: {  	_ =	shalt  }
0x50: {  	_ =	shalt  }
0x51: {  	_ =	shalt  }
0x52: {  	_ =	shalt  }
0x53: {  	_ =	shalt  }
0x54: {  	_ =	shalt  }
0x55: {  	_ =	shalt  }
0x56: {  	_ =	shalt  }
0x57: {  	_ =	shalt  }
0x58: {  	_ =	shalt  }
0x59: {  	_ =	shalt  }
0x5a: {  	_ =	shalt  }
0x5b: {  	_ =	shalt  }
0x5c: {  	_ =	shalt  }
0x5d: {  	_ =	shalt  }
0x5e: {  	_ =	shalt  }
0x5f: {  	_ =	shalt  }
0x60: {  	_ =	shalt  }
0x61: {  	_ =	shalt  }
0x62: {  	_ =	shalt  }
0x63: {  	_ =	shalt  }
0x64: {  	_ =	shalt  }
0x65: {  	_ =	shalt  }
0x66: {  	_ =	shalt  }
0x67: {  	_ =	shalt  }
0x68: {  	_ =	shalt  }
0x69: {  	_ =	shalt  }
0x6a: {  	_ =	shalt  }
0x6b: {  	_ =	shalt  }
0x6c: {  	_ =	shalt  }
0x6d: {  	_ =	shalt  }
0x6e: {  	_ =	shalt  }
0x6f: {  	_ =	shalt  }
0x70: {  	_ =	shalt  }
0x71: {  	_ =	shalt  }
0x72: {  	_ =	shalt  }
0x73: {  	_ =	shalt  }
0x74: {  	_ =	shalt  }
0x75: {  	_ =	shalt  }
0x76: {  	_ =	shalt  }
0x77: {  	_ =	shalt  }
0x78: {  	_ =	shalt  }
0x79: {  	_ =	shalt  }
0x7a: {  	_ =	shalt  }
0x7b: {  	_ =	shalt  }
0x7c: {  	_ =	shalt  }
0x7d: {  	_ =	shalt  }
0x7e: {  	_ =	shalt  }
0x7f: {  	_ =	shalt  }
0x80: {  	_ =	shalt  }
0x81: {  	_ =	shalt  }
0x82: {  	_ =	shalt  }
0x83: {  	_ =	shalt  }
0x84: {  	_ =	shalt  }
0x85: {  	_ =	shalt  }
0x86: {  	_ =	shalt  }
0x87: {  	_ =	shalt  }
.Lfunc_end0:
.L_simem_size_0:
called_computation_lowered:
.L_overlay_start_0:
0x88: {  	s2 =	sld [smem:$0x3FD9]  }
0x89: {  	s3 =	sld [smem:$0x3FFE];
	_ =	sdelay $0x1  }
0x8a: {  	s1 =	srdreg.scid  }
0x8b: {  	s0 =	sand.u32 $0x1, s1  }
0x8c: {  	s14 =	sshll.u32 s0, $0xA;
	s2 =	sadd.s32 s3, s2  }
0x8d: {  	s2 =	sadd.s32 s2, s14  }
0x8e: {  	[smem:$0x3FBF] =	sst s2  }
0x8f: {  	_ = 	snop  }
0x90: {  	s2 =	sld [smem:$0x3FD0];
	_ =	sdelay $0x2  }
0x91: {  	s15 =	simm.s32 $0xA;
	s4 =	simm.s32 $0x10  }
0x92: {  	[smem:s4], [sflag:s15] =	dma.local [hbm:s2], $0x1  }
0x93: {  	_ =	swait.eq [sflag:s15], $0x1  }
0x94: {  	[sflag:s15] =	ssyncset.done $0x0  }
0x95: {  	[sflag:s15] =	ssyncadd.s32 $0xFFFFFFFF  }
0x96: {  	s16 =	sld [smem:$0x11];
	(tm) =	ssettm $0x1  }
0x97: {  	s17 =	sld [smem:$0x3FFB];
	_ =	sdelay $0x3  }
0x98: {  	_ =	strace s17  }
0x99: {  	s3 =	sld [smem:$0x3FFC];
	_ =	sdelay $0x3  }
0x9a: {  	_ =	strace s3  }
0x9b: {  	s3 =	sld [smem:$0x3FFD];
	_ =	sdelay $0x3  }
0x9c: {  	_ =	strace s3  }
0x9d: {  	_ =	strace $0x8FFFFFFF  }
0x9e: {  	s18 =	sld [smem:$0x3FDB];
	_ =	sdelay $0x1  }
0x9f: {  	s19 =	simm.s32 $_scs_section_size  }
0xa0: {  	s5 =	simm.s32 $_size__tile_overlayer_lowered;
	s6 =	simm.s32 $_tile_overlayer_lowered  }
0xa1: {  	s22 =	simm.s32 $0x1BFF;
	s21 =	sshll.u32 s6, $0x1;
	s3 =	sadd.s32 s19, s18  }
0xa2: {  	s7 =	simm.s32 $0x0;
	s20 =	sshll.u32 s5, $0x1;
	s5 =	sadd.s32 s21, s3  }
0xa3: {  	[timem:s7], [sflag:s22] =	dma.local [hbm:s5], s20  }
0xa4: {  	_ =	swait.ge [sflag:s22], s20  }
0xa5: {  	s4 =	ssub.s32 $0x0, s20;
	[sflag:s22] =	ssyncset.done $0x0  }
0xa6: {  	[sflag:s22] =	ssyncadd.s32 s4;
	_ =	sdelay $0x1  }
0xa7: {  	s23 =	simm.s32 $0x1B8B  }
0xa8: {  	_ =	swait.ge [sflag:s23], $0x1  }
0xa9: {  	[sflag:s23] =	ssyncset.done $0x0  }
0xaa: {  	s25 =	simm.s32 $0x1B8E;
	s24 =	sld [smem:$0x3FFE];
	[sflag:s23] =	ssyncadd.s32 $0xFFFFFFFF  }
0xab: {  	s26 =	simm.s32 $execute0_lowered;
	[smem:$0x3FD2] =	sst s25  }
0xac: {  	s5 =	sshll.u32 s26, $0x1;
	_ =	strace $0x80000046;
	[dreg:$0x1] =	wrdreg $0xFFFFFFFF  }
0xad: {  	s28 =	simm.s32 $_size_execute0_lowered;
	s3 =	sadd.s32 s3, s5;
	[dreg:$0x0] =	wrdreg $0x0  }
0xae: {  	s5 =	sshll.u32 s28, $0x1;
	[dreg:$0x2] =	wrdreg s3  }
0xaf: {  	[dreg:$0x3] =	wrdreg s5  }
0xb0: {  	[dreg:$0x4] =	wrdreg $0xC0  }
0xb1: {  	_ =	task [dreg:s7], $0x5FFFF  }
0xb2: {  	[dreg:$0x1] =	wrdreg $0xFFFFFFFF  }
0xb3: {  	[dreg:$0x0] =	wrdreg $0x60  }
0xb4: {  	[dreg:$0x2] =	wrdreg s24  }
0xb5: {  	[dreg:$0x3] =	wrdreg s16  }
0xb6: {  	[dreg:$0x4] =	wrdreg $0x9  }
0xb7: {  	_ =	task.clear_ibuf [dreg:s7], $0x5FFFF;
	_ =	strace $0x90000046  }
0xb8: {  	s29 =	simm.s32 $0x9;
	_ =	strace $0x80000048  }
0xb9: {  	_ =	swait.ge [sflag:s29], $0x1  }
0xba: {  	[sflag:s29] =	ssyncadd.s32 $0xFFFFFFFF  }
0xbb: {  	_ =	strace $0x90000048  }
0xbc: {  	_ =	sfence  }
0xbd: {  	s30 =	sld [smem:$0x0];
	_ =	sdelay $0x2  }
0xbe: {  	s31 =	sshll.u32 s1, $0xD;
	s1 =	sshrl.u32 s1, $0x2  }
0xbf: {  	s3 =	sand.u32 $0x4000, s31;
	s1 =	sadd.s32 s1, s30  }
0xc0: {  	s0 =	sor.u32 s3, s0;
	s1 =	sshll.u32 s1, $0x11  }
0xc1: {  	s0 =	sor.u32 s1, s0  }
0xc2: {  	s0 =	sadd.s32 $0x8F2B, s0  }
0xc3: {  	[sflag:s0] =	ssyncadd.remote.s32 $0x1  }
0xc4: {  	_ =	sfence.sel $0xFFFF  }
0xc5: {  	[dreg:$0x0] =	wrdreg $0xFFFFFFFF;
	(pc) =	sbr.abs _section_cstart, $3  }
0xc6: {  	[dreg:$0x1] =	wrdreg $0xFFFFFFFF  }
0xc7: {  	_ =	task.clear_ibuf [dreg:s7], $0x2FFFF;
	_ =	strace $0x9FFFFFFF  }
0xc8: {  	(tm) =	ssettm $0x7FFFFFFF  }
0xc9: {  	_ =	shalt  }
tec
execute0_lowered:
.L_overlay_start_1:
0x0: {  	(tag) =	ssettag $0x1  }
0x1: {  	s3 =	rddreg [dreg:$0x0]  }
0x2: {  	s0 =	stileid.u32;
	s6 =	rddreg [dreg:$0x1]  }
0x3: {  	s2 =	srdreg.scid;
	s1 =	rddreg [dreg:$0x2]  }
0x4: {  	s12 =	simm.s32 $0x100;
	s13 =	simm.s32 $0x180;
	s14 =	simm.s32 $0x200  }
0x5: {  	s15 =	simm.s32 $0x1;
	s16 =	simm.s32 $0x8200;
	s17 =	simm.s32 $0x0  }
0x6: {  	s4 =	sshll.u32 s0, $0x1;
	s5 =	sand.u32 $0x1, s2;
	s2 =	simm.s32 $0x0  }
0x7: {  	s7 =	sshrl.u32 s0, $0x3;
	s4 =	sand.u32 $0xE, s4;
	[smem:$0x7FF] =	sst s2  }
0x8: {  	s9 =	sshll.u32 s7, $0xA;
	s7 =	sshll.u32 s7, $0xE;
	s8 =	sor.u32 s5, s4  }
0x9: {  	_ =	strace $0x80000047;
	s5 =	ssub.s32 $0x2, s5;
	s11 =	sadd.s32 s6, s7  }
0xa: {  	s4 =	sshll.u32 s8, $0x4;
	s31 =	sshrl.u32 s5, $0x1;
	s8 =	sshll.u32 s8, $0xA  }
0xb: {  	s4 =	sor.u32 s9, s4;
	s10 =	ssub.s32 s5, s31;
	s8 =	sadd.s32 s8, s11  }
0xc: {  	s11 =	simm.s32 $0x80;
	s9 =	sadd.s32 s4, s3;
	s3 =	sadd.s32 $0x80400, s3  }
0xd: {  	s4 =	sadd.s32 $0x400, s9;
	s5 =	sadd.s32 $0x500, s9;
	s6 =	sadd.s32 $0x600, s9  }
0xe: {  	s7 =	sadd.s32 $0x700, s9;
	s9 =	smax.u32 s10, $0x1;
	s10 =	simm.s32 $0x2  }
.LBB2_1:
0xf: {  	[tilespmem:s2], [sflag:$0x2] =	stream.linear.gather [hbm4b:s4+s2], $0x80, $0x38;
	[tilespmem:$0xA200] =	vst v63  }
0x10: {  	_ =	swait.ge [sflag:s10], $0x80  }
0x11: {  	[sflag:s10] =	ssyncset.done $0x0  }
0x12: {  	[sflag:s10] =	ssyncadd.s32 $0xFFFFFF80  }
0x13: {  	[tilespmem:s11], [sflag:$0x2] =	stream.linear.gather [hbm4b:s5+s2], $0x80, $0x38;
	[tilespmem:$0xA200] =	vst v63  }
0x14: {  	_ =	swait.ge [sflag:s10], $0x80  }
0x15: {  	[sflag:s10] =	ssyncset.done $0x0  }
0x16: {  	[sflag:s10] =	ssyncadd.s32 $0xFFFFFF80  }
0x17: {  	[tilespmem:s12], [sflag:$0x2] =	stream.linear.gather [hbm4b:s6+s2], $0x80, $0x38;
	[tilespmem:$0xA200] =	vst v63  }
0x18: {  	_ =	swait.ge [sflag:s10], $0x80  }
0x19: {  	[sflag:s10] =	ssyncset.done $0x0  }
0x1a: {  	[sflag:s10] =	ssyncadd.s32 $0xFFFFFF80  }
0x1b: {  	[tilespmem:s13], [sflag:$0x2] =	stream.linear.gather [hbm4b:s7+s2], $0x80, $0x38;
	[tilespmem:$0xA200] =	vst v63  }
0x1c: {  	_ =	swait.ge [sflag:s10], $0x80  }
0x1d: {  	[sflag:s10] =	ssyncset.done $0x0  }
0x1e: {  	[sflag:s10] =	ssyncadd.s32 $0xFFFFFF80  }
0x1f: {  	[tilespmem:s14], [sflag:$0x1] =	stream.indirect.gather [hbm4b:s3+s14], $0x40, s2, s14, $0xb8;
	[tilespmem:$0xA200] =	vst v63  }
0x20: {  	_ =	swait.ge [sflag:s15], $0x8000  }
0x21: {  	[sflag:s15] =	ssyncset.done $0x0  }
0x22: {  	s18 =	simm.s32 $0x0;
	[sflag:s15] =	ssyncadd.s32 $0xFFFF8000  }
0x23: {  	v0 =	vld [tilespmem:s18+$0x3F0]  }
0x24: {  	v1 =	vld [tilespmem:s18+$0x23F0]  }
0x25: {  	v2 =	vld [tilespmem:s18+$0x200]  }
0x26: {  	v3 =	vld [tilespmem:s18+$0x43F0]  }
0x27: {  	v8 =	vld [tilespmem:s18+$0x2220]  }
0x28: {  	v4 =	vld [tilespmem:s18+$0x2200]  }
0x29: {  	v5 =	vld [tilespmem:s18+$0x63F0]  }
0x2a: {  	v6 =	vld [tilespmem:s18+$0x210]  }
0x2b: {  	v7 =	vld [tilespmem:s18+$0x2210]  }
0x2c: {  	v22 =	vld [tilespmem:s18+$0x220];
	[tilespmem:$0x1FE80] =	vst v8  }
0x2d: {  	v8 =	vld [tilespmem:s18+$0x230];
	_ =	sdelay $0x4  }
0x2e: {  	[tilespmem:$0x1FE90] =	vst v8  }
0x2f: {  	v8 =	vld [tilespmem:s18+$0x2230];
	_ =	sdelay $0x4  }
0x30: {  	[tilespmem:$0x1FEA0] =	vst v8  }
0x31: {  	v8 =	vld [tilespmem:s18+$0x240];
	_ =	sdelay $0x4  }
0x32: {  	[tilespmem:$0x1FEB0] =	vst v8  }
0x33: {  	v8 =	vld [tilespmem:s18+$0x2240];
	_ =	sdelay $0x4  }
0x34: {  	[tilespmem:$0x1FEC0] =	vst v8  }
0x35: {  	v8 =	vld [tilespmem:s18+$0x250];
	_ =	sdelay $0x4  }
0x36: {  	[tilespmem:$0x1FED0] =	vst v8  }
0x37: {  	v8 =	vld [tilespmem:s18+$0x2250];
	_ =	sdelay $0x4  }
0x38: {  	[tilespmem:$0x1FEE0] =	vst v8  }
0x39: {  	v8 =	vld [tilespmem:s18+$0x260];
	_ =	sdelay $0x4  }
0x3a: {  	[tilespmem:$0x1FEF0] =	vst v8  }
0x3b: {  	v8 =	vld [tilespmem:s18+$0x2260];
	_ =	sdelay $0x4  }
0x3c: {  	[tilespmem:$0x1FF00] =	vst v8  }
0x3d: {  	v8 =	vld [tilespmem:s18+$0x270];
	_ =	sdelay $0x4  }
0x3e: {  	[tilespmem:$0x1FF10] =	vst v8  }
0x3f: {  	v8 =	vld [tilespmem:s18+$0x2270];
	_ =	sdelay $0x4  }
0x40: {  	[tilespmem:$0x1FF20] =	vst v8  }
0x41: {  	v8 =	vld [tilespmem:s18+$0x280];
	_ =	sdelay $0x4  }
0x42: {  	[tilespmem:$0x1FF30] =	vst v8  }
0x43: {  	v8 =	vld [tilespmem:s18+$0x290];
	_ =	sdelay $0x4  }
0x44: {  	v21 =	vld [tilespmem:s18+$0x2280];
	[tilespmem:$0x1FF40] =	vst v8  }
0x45: {  	v23 =	vld [tilespmem:s18+$0x2290]  }
0x46: {  	v24 =	vld [tilespmem:s18+$0x2A0]  }
0x47: {  	v25 =	vld [tilespmem:s18+$0x22A0]  }
0x48: {  	v26 =	vld [tilespmem:s18+$0x2B0]  }
0x49: {  	v27 =	vld [tilespmem:s18+$0x22B0]  }
0x4a: {  	v28 =	vld [tilespmem:s18+$0x2C0]  }
0x4b: {  	v29 =	vld [tilespmem:s18+$0x22C0]  }
0x4c: {  	v30 =	vld [tilespmem:s18+$0x2D0]  }
0x4d: {  	v31 =	vld [tilespmem:s18+$0x22D0]  }
0x4e: {  	v32 =	vld [tilespmem:s18+$0x2E0]  }
0x4f: {  	v33 =	vld [tilespmem:s18+$0x22E0]  }
0x50: {  	v34 =	vld [tilespmem:s18+$0x2F0]  }
0x51: {  	v35 =	vld [tilespmem:s18+$0x22F0]  }
0x52: {  	v36 =	vld [tilespmem:s18+$0x300]  }
0x53: {  	v37 =	vld [tilespmem:s18+$0x2300]  }
0x54: {  	v38 =	vld [tilespmem:s18+$0x310]  }
0x55: {  	v39 =	vld [tilespmem:s18+$0x2310]  }
0x56: {  	v40 =	vld [tilespmem:s18+$0x320]  }
0x57: {  	v41 =	vld [tilespmem:s18+$0x2320]  }
0x58: {  	v42 =	vld [tilespmem:s18+$0x330]  }
0x59: {  	v43 =	vld [tilespmem:s18+$0x2330]  }
0x5a: {  	v44 =	vld [tilespmem:s18+$0x340]  }
0x5b: {  	v45 =	vld [tilespmem:s18+$0x2340]  }
0x5c: {  	v46 =	vld [tilespmem:s18+$0x350]  }
0x5d: {  	v47 =	vld [tilespmem:s18+$0x2350]  }
0x5e: {  	v48 =	vld [tilespmem:s18+$0x360]  }
0x5f: {  	v49 =	vld [tilespmem:s18+$0x2360]  }
0x60: {  	v50 =	vld [tilespmem:s18+$0x370]  }
0x61: {  	v17 =	vld [tilespmem:s18+$0x2370]  }
0x62: {  	v51 =	vld [tilespmem:s18+$0x380]  }
0x63: {  	v15 =	vld [tilespmem:s18+$0x2380]  }
0x64: {  	v52 =	vld [tilespmem:s18+$0x390]  }
0x65: {  	v14 =	vld [tilespmem:s18+$0x2390]  }
0x66: {  	v53 =	vld [tilespmem:s18+$0x3A0]  }
0x67: {  	v54 =	vld [tilespmem:s18+$0x23A0]  }
0x68: {  	v55 =	vld [tilespmem:s18+$0x3B0]  }
0x69: {  	v9 =	vld [tilespmem:s18+$0x23B0]  }
0x6a: {  	v56 =	vld [tilespmem:s18+$0x3C0]  }
0x6b: {  	v57 =	vld [tilespmem:s18+$0x23C0]  }
0x6c: {  	v58 =	vld [tilespmem:s18+$0x3D0]  }
0x6d: {  	v59 =	vld [tilespmem:s18+$0x23D0]  }
0x6e: {  	v0 =	vadd.f32 v1, v0;
	v60 =	vld [tilespmem:s18+$0x3E0]  }
0x6f: {  	v61 =	vld [tilespmem:s18+$0x23E0]  }
0x70: {  	v0 =	vadd.f32 v3, v0;
	v62 =	vld [tilespmem:s18+$0x4200]  }
0x71: {  	v63 =	vld [tilespmem:s18+$0x4210]  }
0x72: {  	v0 =	vadd.f32 v5, v0;
	v10 =	vld [tilespmem:s18+$0x4220]  }
0x73: {  	v8 =	vld [tilespmem:s18+$0x4230]  }
0x74: {  	v0 =	vmul.f32 $2.500000000e-01, v0;
	v11 =	vld [tilespmem:s18+$0x4240]  }
0x75: {  	v12 =	vld [tilespmem:s18+$0x4250]  }
0x76: {  	[tilespmem:s18+$0x83F0] =	vst v0;
	v0 =	vld [tilespmem:s18+$0x42B0]  }
0x77: {  	v13 =	vld [tilespmem:s18+$0x4260]  }
0x78: {  	v16 =	vld [tilespmem:s18+$0x4270]  }
0x79: {  	v18 =	vld [tilespmem:s18+$0x4280]  }
0x7a: {  	v19 =	vld [tilespmem:s18+$0x4290]  }
0x7b: {  	v20 =	vld [tilespmem:s18+$0x42A0];
	[tilespmem:$0x1FF50] =	vst v0  }
0x7c: {  	v0 =	vld [tilespmem:s18+$0x42C0];
	_ =	sdelay $0x4  }
0x7d: {  	[tilespmem:$0x1FF60] =	vst v0  }
0x7e: {  	v0 =	vld [tilespmem:s18+$0x42D0];
	_ =	sdelay $0x4  }
0x7f: {  	[tilespmem:$0x1FF70] =	vst v0  }
0x80: {  	v0 =	vld [tilespmem:s18+$0x42E0];
	_ =	sdelay $0x4  }
0x81: {  	[tilespmem:$0x1FF80] =	vst v0  }
0x82: {  	v0 =	vld [tilespmem:s18+$0x42F0];
	_ =	sdelay $0x4  }
0x83: {  	[tilespmem:$0x1FF90] =	vst v0  }
0x84: {  	v0 =	vld [tilespmem:s18+$0x4300];
	_ =	sdelay $0x4  }
0x85: {  	[tilespmem:$0x1FFA0] =	vst v0  }
0x86: {  	v0 =	vld [tilespmem:s18+$0x4310]  }
0x87: {  	v1 =	vld [tilespmem:$0x1FE80];
	_ =	sdelay $0x3  }
0x88: {  	[tilespmem:$0x1FFB0] =	vst v0  }
0x89: {  	v5 =	vadd.f32 v1, v22;
	v1 =	vld [tilespmem:s18+$0x4320];
	_ =	sdelay $0x3  }
0x8a: {  	v3 =	vadd.f32 v4, v2;
	v2 =	vld [tilespmem:$0x1FEA0]  }
0x8b: {  	[tilespmem:$0x1FFC0] =	vst v1;
	v1 =	vld [tilespmem:$0x1FE90];
	_ =	sdelay $0x3  }
0x8c: {  	v4 =	vld [tilespmem:$0x1FEC0]  }
0x8d: {  	v1 =	vadd.f32 v2, v1;
	v2 =	vld [tilespmem:$0x1FEB0];
	_ =	sdelay $0x4  }
0x8e: {  	v4 =	vadd.f32 v4, v2;
	v2 =	vld [tilespmem:s18+$0x4330];
	_ =	sdelay $0x3  }
0x8f: {  	v0 =	vadd.f32 v7, v6;
	v6 =	vld [tilespmem:$0x1FEE0]  }
0x90: {  	[tilespmem:$0x1FFD0] =	vst v2;
	v2 =	vld [tilespmem:$0x1FED0];
	_ =	sdelay $0x3  }
0x91: {  	v7 =	vld [tilespmem:$0x1FF00]  }
0x92: {  	v2 =	vadd.f32 v6, v2;
	v6 =	vld [tilespmem:$0x1FEF0];
	_ =	sdelay $0x4  }
0x93: {  	v6 =	vadd.f32 v7, v6;
	v7 =	vld [tilespmem:s18+$0x4340];
	_ =	sdelay $0x3  }
0x94: {  	v22 =	vld [tilespmem:$0x1FF20]  }
0x95: {  	[tilespmem:$0x1FFE0] =	vst v7;
	v7 =	vld [tilespmem:$0x1FF10];
	_ =	sdelay $0x4  }
0x96: {  	v7 =	vadd.f32 v22, v7;
	v22 =	vld [tilespmem:$0x1FF30];
	_ =	sdelay $0x4  }
0x97: {  	v21 =	vadd.f32 v21, v22;
	v22 =	vld [tilespmem:s18+$0x4350];
	_ =	sdelay $0x4  }
0x98: {  	[tilespmem:$0x1FFF0] =	vst v22;
	v22 =	vld [tilespmem:$0x1FF40]  }
0x99: {  	v0 =	vadd.f32 v63, v0;
	v63 =	vld [tilespmem:s18+$0x6220]  }
0x9a: {  	v1 =	vadd.f32 v8, v1;
	v8 =	vld [tilespmem:s18+$0x6230]  }
0x9b: {  	v5 =	vadd.f32 v10, v5;
	v10 =	vld [tilespmem:s18+$0x6240]  }
0x9c: {  	v4 =	vadd.f32 v11, v4;
	v11 =	vld [tilespmem:s18+$0x6250]  }
0x9d: {  	v2 =	vadd.f32 v12, v2;
	v12 =	vld [tilespmem:s18+$0x6260]  }
0x9e: {  	v14 =	vadd.f32 v14, v52;
	v52 =	vld [tilespmem:s18+$0x6270]  }
0x9f: {  	v3 =	vadd.f32 v62, v3;
	v62 =	vld [tilespmem:s18+$0x6380];
	v22 =	vadd.f32 v23, v22  }
0xa0: {  	v23 =	vadd.f32 v25, v24;
	v24 =	vld [tilespmem:s18+$0x4360];
	v25 =	vadd.f32 v27, v26  }
0xa1: {  	v26 =	vadd.f32 v29, v28;
	v27 =	vld [tilespmem:s18+$0x4370];
	v28 =	vadd.f32 v31, v30  }
0xa2: {  	v30 =	vld [tilespmem:s18+$0x4380];
	v31 =	vadd.f32 v35, v34;
	v35 =	vadd.f32 v41, v40  }
0xa3: {  	v40 =	vadd.f32 v47, v46;
	v46 =	vadd.f32 v57, v56;
	v57 =	vld [tilespmem:s18+$0x6200]  }
0xa4: {  	v29 =	vadd.f32 v33, v32;
	v33 =	vld [tilespmem:s18+$0x4390]  }
0xa5: {  	v41 =	vadd.f32 v49, v48;
	v49 =	vadd.f32 v61, v60;
	v61 =	vld [tilespmem:s18+$0x6210]  }
0xa6: {  	v32 =	vadd.f32 v37, v36;
	v36 =	vld [tilespmem:s18+$0x43A0]  }
0xa7: {  	v34 =	vadd.f32 v39, v38;
	v39 =	vld [tilespmem:s18+$0x43B0]  }
0xa8: {  	v37 =	vadd.f32 v43, v42;
	v42 =	vld [tilespmem:s18+$0x43C0];
	v3 =	vadd.f32 v57, v3  }
0xa9: {  	v48 =	vadd.f32 v59, v58;
	v58 =	vld [tilespmem:s18+$0x6330];
	v5 =	vadd.f32 v63, v5  }
0xaa: {  	v1 =	vadd.f32 v8, v1;
	v8 =	vld [tilespmem:s18+$0x6280];
	v0 =	vadd.f32 v61, v0;
	v3 =	vmul.f32 $2.500000000e-01, v3  }
0xab: {  	v61 =	vld [tilespmem:s18+$0x6370]  }
0xac: {  	v0 =	vmul.f32 $2.500000000e-01, v0;
	[tilespmem:s18+$0x8200] =	vst v3;
	v3 =	vmul.f32 $2.500000000e-01, v5;
	v5 =	vld [tilespmem:s18+$0x6290]  }
0xad: {  	v4 =	vadd.f32 v10, v4;
	v10 =	vld [tilespmem:$0x1FF50]  }
0xae: {  	v6 =	vadd.f32 v13, v6;
	[tilespmem:s18+$0x8210] =	vst v0;
	v0 =	vmul.f32 $2.500000000e-01, v1;
	v1 =	vadd.f32 v11, v2;
	v2 =	vld [tilespmem:s18+$0x62A0]  }
0xaf: {  	v11 =	vld [tilespmem:$0x1FF60]  }
0xb0: {  	v7 =	vadd.f32 v16, v7;
	[tilespmem:s18+$0x8220] =	vst v3;
	v3 =	vmul.f32 $2.500000000e-01, v4;
	v4 =	vadd.f32 v12, v6;
	v6 =	vld [tilespmem:s18+$0x62B0]  }
0xb1: {  	v9 =	vadd.f32 v9, v55;
	v12 =	vld [tilespmem:$0x1FF70]  }
0xb2: {  	v13 =	vadd.f32 v18, v21;
	[tilespmem:s18+$0x8230] =	vst v0;
	v0 =	vmul.f32 $2.500000000e-01, v1;
	v1 =	vadd.f32 v52, v7;
	v7 =	vld [tilespmem:s18+$0x62C0]  }
0xb3: {  	v38 =	vadd.f32 v45, v44;
	v44 =	vadd.f32 v54, v53;
	v55 =	vld [tilespmem:$0x1FF80]  }
0xb4: {  	v53 =	vadd.f32 v19, v22;
	[tilespmem:s18+$0x8240] =	vst v3;
	v3 =	vmul.f32 $2.500000000e-01, v4;
	v4 =	vadd.f32 v8, v13;
	v8 =	vld [tilespmem:s18+$0x62D0]  }
0xb5: {  	v13 =	vld [tilespmem:$0x1FF90]  }
0xb6: {  	[tilespmem:s18+$0x8250] =	vst v0;
	v0 =	vmul.f32 $2.500000000e-01, v1;
	v1 =	vadd.f32 v5, v53;
	v5 =	vld [tilespmem:s18+$0x62E0]  }
0xb7: {  	v56 =	vld [tilespmem:$0x1FFA0]  }
0xb8: {  	v17 =	vadd.f32 v17, v50;
	v10 =	vadd.f32 v10, v25;
	[tilespmem:s18+$0x8260] =	vst v3;
	v3 =	vmul.f32 $2.500000000e-01, v4;
	v4 =	vld [tilespmem:s18+$0x62F0]  }
0xb9: {  	v15 =	vadd.f32 v15, v51;
	v54 =	vadd.f32 v20, v23;
	v57 =	vld [tilespmem:$0x1FFB0]  }
0xba: {  	v11 =	vadd.f32 v11, v26;
	[tilespmem:s18+$0x8270] =	vst v0;
	v0 =	vmul.f32 $2.500000000e-01, v1;
	v1 =	vadd.f32 v6, v10;
	v6 =	vld [tilespmem:s18+$0x6300]  }
0xbb: {  	v60 =	vadd.f32 v24, v41;
	v2 =	vadd.f32 v2, v54;
	v10 =	vld [tilespmem:$0x1FFC0]  }
0xbc: {  	v12 =	vadd.f32 v12, v28;
	[tilespmem:s18+$0x8280] =	vst v3;
	v3 =	vadd.f32 v7, v11;
	v7 =	vld [tilespmem:s18+$0x6310]  }
0xbd: {  	v17 =	vadd.f32 v27, v17;
	v15 =	vadd.f32 v30, v15;
	v2 =	vmul.f32 $2.500000000e-01, v2;
	v11 =	vld [tilespmem:$0x1FFD0]  }
0xbe: {  	v16 =	vadd.f32 v55, v29;
	[tilespmem:s18+$0x8290] =	vst v0;
	v0 =	vmul.f32 $2.500000000e-01, v1;
	v1 =	vadd.f32 v8, v12;
	v8 =	vld [tilespmem:s18+$0x6320]  }
0xbf: {  	v13 =	vadd.f32 v13, v31;
	v12 =	vld [tilespmem:$0x1FFE0];
	[tilespmem:s18+$0x82A0] =	vst v2;
	v18 =	vadd.f32 v56, v32  }
0xc0: {  	v2 =	vmul.f32 $2.500000000e-01, v3;
	v3 =	vadd.f32 v5, v16;
	v5 =	vld [tilespmem:$0x1FFF0];
	v19 =	vadd.f32 v57, v34  }
0xc1: {  	[tilespmem:s18+$0x82B0] =	vst v0;
	v0 =	vmul.f32 $2.500000000e-01, v1;
	v1 =	vadd.f32 v4, v13;
	v13 =	vld [tilespmem:s18+$0x6340];
	v4 =	vadd.f32 v36, v44  }
0xc2: {  	v10 =	vadd.f32 v10, v35;
	[tilespmem:s18+$0x82C0] =	vst v2;
	v2 =	vmul.f32 $2.500000000e-01, v3;
	v3 =	vadd.f32 v6, v18;
	v6 =	vld [tilespmem:s18+$0x6350]  }
0xc3: {  	v11 =	vadd.f32 v11, v37;
	[tilespmem:s18+$0x82D0] =	vst v0;
	v0 =	vmul.f32 $2.500000000e-01, v1;
	v1 =	vadd.f32 v7, v19;
	v7 =	vld [tilespmem:s18+$0x6360]  }
0xc4: {  	v45 =	vld [tilespmem:s18+$0x43E0];
	v12 =	vadd.f32 v12, v38;
	[tilespmem:s18+$0x82E0] =	vst v2;
	v2 =	vmul.f32 $2.500000000e-01, v3;
	v3 =	vadd.f32 v8, v10  }
0xc5: {  	v43 =	vld [tilespmem:s18+$0x43D0];
	v59 =	vadd.f32 v5, v40;
	[tilespmem:s18+$0x82F0] =	vst v0;
	v0 =	vmul.f32 $2.500000000e-01, v1;
	v8 =	vadd.f32 v58, v11  }
0xc6: {  	v10 =	vld [tilespmem:s18+$0x6390];
	v5 =	vadd.f32 v33, v14;
	[tilespmem:s18+$0x8300] =	vst v2;
	v3 =	vmul.f32 $2.500000000e-01, v3;
	v11 =	vadd.f32 v13, v12  }
0xc7: {  	v1 =	vadd.f32 v39, v9;
	v9 =	vld [tilespmem:s18+$0x63A0];
	[tilespmem:s18+$0x8310] =	vst v0;
	v12 =	vmul.f32 $2.500000000e-01, v8;
	v6 =	vadd.f32 v6, v59  }
0xc8: {  	v14 =	vadd.f32 v61, v17;
	v8 =	vld [tilespmem:s18+$0x63B0];
	[tilespmem:s18+$0x8320] =	vst v3;
	v11 =	vmul.f32 $2.500000000e-01, v11;
	v63 =	vadd.f32 v7, v60  }
0xc9: {  	v2 =	vadd.f32 v42, v46;
	v0 =	vadd.f32 v45, v49;
	v7 =	vld [tilespmem:s18+$0x63C0];
	[tilespmem:s18+$0x8330] =	vst v12;
	v13 =	vmul.f32 $2.500000000e-01, v6  }
0xca: {  	s19 =	simm.s32 $0x0;
	s20 =	simm.s32 $0x800;
	v3 =	vadd.f32 v43, v48;
	v12 =	vadd.f32 v62, v15;
	v6 =	vld [tilespmem:s18+$0x63D0];
	[tilespmem:s18+$0x8340] =	vst v11;
	v11 =	vmul.f32 $2.500000000e-01, v63  }
.LBB2_2:
0xcb: {  	s21 =	sshra.s32 s20, $0x2;
	[tilespmem:s18+$0x8350] =	vst v13;
	v13 =	vmul.f32 $2.500000000e-01, v14;
	v5 =	vadd.f32 v10, v5;
	v10 =	vld [tilespmem:s18+$0x63E0]  }
0xcc: {  	s19 =	sadd.s32 $0x8, s19;
	v14 =	vld [tilespmem:s21+$0x3F0];
	[tilespmem:s18+$0x8360] =	vst v11;
	v11 =	vmul.f32 $2.500000000e-01, v12;
	v4 =	vadd.f32 v9, v4  }
0xcd: {  	p0 =	slt.u32 s19, $0x78;
	v9 =	vld [tilespmem:s21+$0x23F0];
	[tilespmem:s18+$0x8370] =	vst v13;
	v5 =	vmul.f32 $2.500000000e-01, v5;
	v1 =	vadd.f32 v8, v1  }
0xce: {  	v8 =	vld [tilespmem:s21+$0x200];
	[tilespmem:s18+$0x8380] =	vst v11;
	v4 =	vmul.f32 $2.500000000e-01, v4;
	v2 =	vadd.f32 v7, v2  }
0xcf: {  	v7 =	vld [tilespmem:s21+$0x43F0];
	[tilespmem:s18+$0x8390] =	vst v5;
	v1 =	vmul.f32 $2.500000000e-01, v1;
	v3 =	vadd.f32 v6, v3  }
0xd0: {  	v5 =	vld [tilespmem:s21+$0x2200];
	[tilespmem:s18+$0x83A0] =	vst v4;
	v2 =	vmul.f32 $2.500000000e-01, v2;
	v0 =	vadd.f32 v10, v0  }
0xd1: {  	v4 =	vld [tilespmem:s21+$0x63F0];
	[tilespmem:s18+$0x83B0] =	vst v1;
	v1 =	vmul.f32 $2.500000000e-01, v3  }
0xd2: {  	v3 =	vld [tilespmem:s21+$0x210];
	v6 =	vadd.f32 v9, v14;
	[tilespmem:s18+$0x83C0] =	vst v2;
	v0 =	vmul.f32 $2.500000000e-01, v0  }
0xd3: {  	v2 =	vld [tilespmem:s21+$0x2210];
	[tilespmem:s18+$0x83D0] =	vst v1  }
0xd4: {  	v9 =	vld [tilespmem:s21+$0x220];
	v1 =	vadd.f32 v7, v6;
	[tilespmem:s18+$0x83E0] =	vst v0;
	s18 =	smov.u32 s21  }
0xd5: {  	v0 =	vadd.f32 v5, v8;
	v5 =	vld [tilespmem:s18+$0x2220]  }
0xd6: {  	v6 =	vld [tilespmem:s18+$0x230];
	v4 =	vadd.f32 v4, v1  }
0xd7: {  	v7 =	vld [tilespmem:s18+$0x2230]  }
0xd8: {  	v1 =	vadd.f32 v2, v3;
	v8 =	vld [tilespmem:s18+$0x240];
	v3 =	vmul.f32 $2.500000000e-01, v4  }
0xd9: {  	v4 =	vld [tilespmem:s18+$0x2240]  }
0xda: {  	v2 =	vadd.f32 v5, v9;
	v5 =	vld [tilespmem:s18+$0x250];
	[tilespmem:s18+$0x83F0] =	vst v3  }
0xdb: {  	v9 =	vld [tilespmem:s18+$0x2250]  }
0xdc: {  	v3 =	vadd.f32 v7, v6;
	v6 =	vld [tilespmem:s18+$0x260]  }
0xdd: {  	v7 =	vld [tilespmem:s18+$0x2260]  }
0xde: {  	v4 =	vadd.f32 v4, v8;
	v8 =	vld [tilespmem:s18+$0x270]  }
0xdf: {  	v10 =	vld [tilespmem:s18+$0x2270]  }
0xe0: {  	v5 =	vadd.f32 v9, v5;
	v9 =	vld [tilespmem:s18+$0x280]  }
0xe1: {  	v11 =	vld [tilespmem:s18+$0x2280]  }
0xe2: {  	v6 =	vadd.f32 v7, v6;
	v12 =	vld [tilespmem:s18+$0x290]  }
0xe3: {  	v13 =	vld [tilespmem:s18+$0x2290]  }
0xe4: {  	v7 =	vadd.f32 v10, v8;
	v10 =	vld [tilespmem:s18+$0x2A0]  }
0xe5: {  	v14 =	vld [tilespmem:s18+$0x22A0]  }
0xe6: {  	v8 =	vadd.f32 v11, v9;
	v11 =	vld [tilespmem:s18+$0x2B0]  }
0xe7: {  	v15 =	vld [tilespmem:s18+$0x22B0]  }
0xe8: {  	v9 =	vadd.f32 v13, v12;
	v12 =	vld [tilespmem:s18+$0x2C0]  }
0xe9: {  	v13 =	vld [tilespmem:s18+$0x22C0]  }
0xea: {  	v10 =	vadd.f32 v14, v10;
	v14 =	vld [tilespmem:s18+$0x2D0]  }
0xeb: {  	v16 =	vld [tilespmem:s18+$0x22D0]  }
0xec: {  	v11 =	vadd.f32 v15, v11;
	v15 =	vld [tilespmem:s18+$0x2E0]  }
0xed: {  	v17 =	vld [tilespmem:s18+$0x22E0]  }
0xee: {  	v12 =	vadd.f32 v13, v12;
	v13 =	vld [tilespmem:s18+$0x2F0]  }
0xef: {  	v18 =	vld [tilespmem:s18+$0x22F0]  }
0xf0: {  	v14 =	vadd.f32 v16, v14;
	v16 =	vld [tilespmem:s18+$0x300]  }
0xf1: {  	v19 =	vld [tilespmem:s18+$0x2300]  }
0xf2: {  	v15 =	vadd.f32 v17, v15;
	v17 =	vld [tilespmem:s18+$0x310]  }
0xf3: {  	v20 =	vld [tilespmem:s18+$0x2310]  }
0xf4: {  	v13 =	vadd.f32 v18, v13;
	v18 =	vld [tilespmem:s18+$0x320]  }
0xf5: {  	v21 =	vld [tilespmem:s18+$0x2320]  }
0xf6: {  	v16 =	vadd.f32 v19, v16;
	v19 =	vld [tilespmem:s18+$0x330]  }
0xf7: {  	v22 =	vld [tilespmem:s18+$0x2330]  }
0xf8: {  	v17 =	vadd.f32 v20, v17;
	v20 =	vld [tilespmem:s18+$0x340]  }
0xf9: {  	v23 =	vld [tilespmem:s18+$0x2340]  }
0xfa: {  	v18 =	vadd.f32 v21, v18;
	v21 =	vld [tilespmem:s18+$0x350]  }
0xfb: {  	v24 =	vld [tilespmem:s18+$0x2350]  }
0xfc: {  	v19 =	vadd.f32 v22, v19;
	v22 =	vld [tilespmem:s18+$0x360]  }
0xfd: {  	v25 =	vld [tilespmem:s18+$0x2360]  }
0xfe: {  	v20 =	vadd.f32 v23, v20;
	v23 =	vld [tilespmem:s18+$0x370]  }
0xff: {  	v26 =	vld [tilespmem:s18+$0x2370]  }
0x100: {  	v21 =	vadd.f32 v24, v21;
	v24 =	vld [tilespmem:s18+$0x380]  }
0x101: {  	v27 =	vld [tilespmem:s18+$0x2380]  }
0x102: {  	v22 =	vadd.f32 v25, v22;
	v25 =	vld [tilespmem:s18+$0x390]  }
0x103: {  	v28 =	vld [tilespmem:s18+$0x2390]  }
0x104: {  	v23 =	vadd.f32 v26, v23;
	v26 =	vld [tilespmem:s18+$0x3A0]  }
0x105: {  	v29 =	vld [tilespmem:s18+$0x23A0]  }
0x106: {  	v24 =	vadd.f32 v27, v24;
	v27 =	vld [tilespmem:s18+$0x3B0]  }
0x107: {  	v30 =	vld [tilespmem:s18+$0x23B0]  }
0x108: {  	v25 =	vadd.f32 v28, v25;
	v28 =	vld [tilespmem:s18+$0x3C0]  }
0x109: {  	v31 =	vld [tilespmem:s18+$0x23C0]  }
0x10a: {  	v26 =	vadd.f32 v29, v26;
	v29 =	vld [tilespmem:s18+$0x3D0]  }
0x10b: {  	v32 =	vld [tilespmem:s18+$0x23D0]  }
0x10c: {  	v27 =	vadd.f32 v30, v27;
	v30 =	vld [tilespmem:s18+$0x3E0]  }
0x10d: {  	v33 =	vld [tilespmem:s18+$0x23E0]  }
0x10e: {  	v34 =	vld [tilespmem:s18+$0x4200];
	v28 =	vadd.f32 v31, v28  }
0x10f: {  	v31 =	vld [tilespmem:s18+$0x4210]  }
0x110: {  	v35 =	vld [tilespmem:s18+$0x4220];
	v29 =	vadd.f32 v32, v29  }
0x111: {  	v32 =	vld [tilespmem:s18+$0x4230]  }
0x112: {  	v36 =	vld [tilespmem:s18+$0x4240];
	v30 =	vadd.f32 v33, v30  }
0x113: {  	v33 =	vadd.f32 v34, v0;
	v0 =	vld [tilespmem:s18+$0x4250]  }
0x114: {  	v31 =	vadd.f32 v31, v1;
	v1 =	vld [tilespmem:s18+$0x4260]  }
0x115: {  	v34 =	vadd.f32 v35, v2;
	v2 =	vld [tilespmem:s18+$0x4270]  }
0x116: {  	v32 =	vadd.f32 v32, v3;
	v3 =	vld [tilespmem:s18+$0x4280]  }
0x117: {  	v35 =	vadd.f32 v36, v4;
	v4 =	vld [tilespmem:s18+$0x4290]  }
0x118: {  	v36 =	vadd.f32 v0, v5;
	v0 =	vld [tilespmem:s18+$0x42A0]  }
0x119: {  	v37 =	vadd.f32 v1, v6;
	v1 =	vld [tilespmem:s18+$0x42B0]  }
0x11a: {  	v38 =	vadd.f32 v2, v7;
	v2 =	vld [tilespmem:s18+$0x42C0]  }
0x11b: {  	v39 =	vadd.f32 v3, v8;
	v3 =	vld [tilespmem:s18+$0x42D0]  }
0x11c: {  	v40 =	vadd.f32 v4, v9;
	v4 =	vld [tilespmem:s18+$0x42E0]  }
0x11d: {  	v41 =	vadd.f32 v0, v10;
	v0 =	vld [tilespmem:s18+$0x42F0]  }
0x11e: {  	v11 =	vadd.f32 v1, v11;
	v1 =	vld [tilespmem:s18+$0x4300]  }
0x11f: {  	v12 =	vadd.f32 v2, v12;
	v2 =	vld [tilespmem:s18+$0x4310]  }
0x120: {  	v14 =	vadd.f32 v3, v14;
	v3 =	vld [tilespmem:s18+$0x4320]  }
0x121: {  	v15 =	vadd.f32 v4, v15;
	v4 =	vld [tilespmem:s18+$0x4330]  }
0x122: {  	v13 =	vadd.f32 v0, v13;
	v0 =	vld [tilespmem:s18+$0x4340]  }
0x123: {  	v16 =	vadd.f32 v1, v16;
	v1 =	vld [tilespmem:s18+$0x4350]  }
0x124: {  	v17 =	vadd.f32 v2, v17;
	v2 =	vld [tilespmem:s18+$0x4360]  }
0x125: {  	v18 =	vadd.f32 v3, v18;
	v3 =	vld [tilespmem:s18+$0x4370]  }
0x126: {  	v19 =	vadd.f32 v4, v19;
	v4 =	vld [tilespmem:s18+$0x4380]  }
0x127: {  	v10 =	vadd.f32 v0, v20;
	v0 =	vld [tilespmem:s18+$0x4390]  }
0x128: {  	v9 =	vadd.f32 v1, v21;
	v1 =	vld [tilespmem:s18+$0x43A0]  }
0x129: {  	v8 =	vadd.f32 v2, v22;
	v2 =	vld [tilespmem:s18+$0x43B0]  }
0x12a: {  	v7 =	vadd.f32 v3, v23;
	v3 =	vld [tilespmem:s18+$0x43C0]  }
0x12b: {  	v6 =	vadd.f32 v4, v24;
	v20 =	vld [tilespmem:s18+$0x43D0]  }
0x12c: {  	v5 =	vadd.f32 v0, v25;
	v0 =	vld [tilespmem:s18+$0x43E0]  }
0x12d: {  	v21 =	vld [tilespmem:s18+$0x6200];
	v4 =	vadd.f32 v1, v26  }
0x12e: {  	v22 =	vld [tilespmem:s18+$0x6210];
	v1 =	vadd.f32 v2, v27  }
0x12f: {  	v23 =	vld [tilespmem:s18+$0x6220];
	v2 =	vadd.f32 v3, v28  }
0x130: {  	v24 =	vld [tilespmem:s18+$0x6230];
	v3 =	vadd.f32 v20, v29  }
0x131: {  	v20 =	vld [tilespmem:s18+$0x6240];
	v0 =	vadd.f32 v0, v30  }
0x132: {  	v21 =	vadd.f32 v21, v33;
	v25 =	vld [tilespmem:s18+$0x6250]  }
0x133: {  	v22 =	vadd.f32 v22, v31;
	v26 =	vld [tilespmem:s18+$0x6260]  }
0x134: {  	v21 =	vmul.f32 $2.500000000e-01, v21;
	v23 =	vadd.f32 v23, v34;
	v27 =	vld [tilespmem:s18+$0x6270]  }
0x135: {  	v22 =	vmul.f32 $2.500000000e-01, v22;
	v24 =	vadd.f32 v24, v32;
	v28 =	vld [tilespmem:s18+$0x6280]  }
0x136: {  	[tilespmem:s18+$0x8200] =	vst v21;
	v21 =	vmul.f32 $2.500000000e-01, v23;
	v20 =	vadd.f32 v20, v35;
	v23 =	vld [tilespmem:s18+$0x6290]  }
0x137: {  	[tilespmem:s18+$0x8210] =	vst v22;
	v22 =	vmul.f32 $2.500000000e-01, v24;
	v24 =	vadd.f32 v25, v36;
	v25 =	vld [tilespmem:s18+$0x62A0]  }
0x138: {  	[tilespmem:s18+$0x8220] =	vst v21;
	v20 =	vmul.f32 $2.500000000e-01, v20;
	v21 =	vadd.f32 v26, v37;
	v26 =	vld [tilespmem:s18+$0x62B0]  }
0x139: {  	[tilespmem:s18+$0x8230] =	vst v22;
	v22 =	vmul.f32 $2.500000000e-01, v24;
	v24 =	vadd.f32 v27, v38;
	v27 =	vld [tilespmem:s18+$0x62C0]  }
0x13a: {  	[tilespmem:s18+$0x8240] =	vst v20;
	v20 =	vmul.f32 $2.500000000e-01, v21;
	v21 =	vadd.f32 v28, v39;
	v28 =	vld [tilespmem:s18+$0x62D0]  }
0x13b: {  	[tilespmem:s18+$0x8250] =	vst v22;
	v22 =	vmul.f32 $2.500000000e-01, v24;
	v23 =	vadd.f32 v23, v40;
	v24 =	vld [tilespmem:s18+$0x62E0]  }
0x13c: {  	[tilespmem:s18+$0x8260] =	vst v20;
	v20 =	vmul.f32 $2.500000000e-01, v21;
	v21 =	vadd.f32 v25, v41;
	v25 =	vld [tilespmem:s18+$0x62F0]  }
0x13d: {  	[tilespmem:s18+$0x8270] =	vst v22;
	v22 =	vmul.f32 $2.500000000e-01, v23;
	v11 =	vadd.f32 v26, v11;
	v23 =	vld [tilespmem:s18+$0x6300]  }
0x13e: {  	[tilespmem:s18+$0x8280] =	vst v20;
	v20 =	vmul.f32 $2.500000000e-01, v21;
	v12 =	vadd.f32 v27, v12;
	v21 =	vld [tilespmem:s18+$0x6310]  }
0x13f: {  	[tilespmem:s18+$0x8290] =	vst v22;
	v11 =	vmul.f32 $2.500000000e-01, v11;
	v14 =	vadd.f32 v28, v14;
	v22 =	vld [tilespmem:s18+$0x6320]  }
0x140: {  	[tilespmem:s18+$0x82A0] =	vst v20;
	v12 =	vmul.f32 $2.500000000e-01, v12;
	v15 =	vadd.f32 v24, v15;
	v20 =	vld [tilespmem:s18+$0x6330]  }
0x141: {  	[tilespmem:s18+$0x82B0] =	vst v11;
	v11 =	vmul.f32 $2.500000000e-01, v14;
	v13 =	vadd.f32 v25, v13;
	v14 =	vld [tilespmem:s18+$0x6340]  }
0x142: {  	[tilespmem:s18+$0x82C0] =	vst v12;
	v12 =	vmul.f32 $2.500000000e-01, v15;
	v15 =	vadd.f32 v23, v16;
	v16 =	vld [tilespmem:s18+$0x6350]  }
0x143: {  	[tilespmem:s18+$0x82D0] =	vst v11;
	v11 =	vmul.f32 $2.500000000e-01, v13;
	v13 =	vadd.f32 v21, v17;
	v17 =	vld [tilespmem:s18+$0x6360]  }
0x144: {  	[tilespmem:s18+$0x82E0] =	vst v12;
	v12 =	vmul.f32 $2.500000000e-01, v15;
	v15 =	vadd.f32 v22, v18;
	v18 =	vld [tilespmem:s18+$0x6370]  }
0x145: {  	[tilespmem:s18+$0x82F0] =	vst v11;
	v11 =	vmul.f32 $2.500000000e-01, v13;
	v13 =	vadd.f32 v20, v19;
	v19 =	vld [tilespmem:s18+$0x6380]  }
.Ltmp0:
0x146: {  	[tilespmem:s18+$0x8300] =	vst v12;
	v12 =	vmul.f32 $2.500000000e-01, v15;
	v14 =	vadd.f32 v14, v10;
	v10 =	vld [tilespmem:s18+$0x6390];
	(pc) =	sbr.rel @p0 .LBB2_2-.Ltmp0, $4  }
0x147: {  	[tilespmem:s18+$0x8310] =	vst v11;
	v11 =	vmul.f32 $2.500000000e-01, v13;
	v13 =	vadd.f32 v16, v9;
	v9 =	vld [tilespmem:s18+$0x63A0]  }
0x148: {  	[tilespmem:s18+$0x8320] =	vst v12;
	v12 =	vmul.f32 $2.500000000e-01, v14;
	v15 =	vadd.f32 v17, v8;
	v8 =	vld [tilespmem:s18+$0x63B0]  }
0x149: {  	[tilespmem:s18+$0x8330] =	vst v11;
	v13 =	vmul.f32 $2.500000000e-01, v13;
	v14 =	vadd.f32 v18, v7;
	v7 =	vld [tilespmem:s18+$0x63C0]  }
0x14a: {  	s20 =	sadd.s32 $0x800, s20;
	[tilespmem:s18+$0x8340] =	vst v12;
	v11 =	vmul.f32 $2.500000000e-01, v15;
	v12 =	vadd.f32 v19, v6;
	v6 =	vld [tilespmem:s18+$0x63D0]  }
0x14b: {  	[tilespmem:s18+$0x8350] =	vst v13;
	v60 =	vmul.f32 $2.500000000e-01, v14;
	v5 =	vadd.f32 v10, v5;
	v61 =	vld [tilespmem:s18+$0x63E0]  }
0x14c: {  	[tilespmem:s18+$0x8360] =	vst v11;
	v62 =	vmul.f32 $2.500000000e-01, v12;
	v4 =	vadd.f32 v9, v4  }
0x14d: {  	[tilespmem:s18+$0x8370] =	vst v60;
	v5 =	vmul.f32 $2.500000000e-01, v5;
	v1 =	vadd.f32 v8, v1  }
0x14e: {  	[tilespmem:s18+$0x8380] =	vst v62;
	v4 =	vmul.f32 $2.500000000e-01, v4;
	v2 =	vadd.f32 v7, v2  }
0x14f: {  	[tilespmem:s18+$0x8390] =	vst v5;
	v1 =	vmul.f32 $2.500000000e-01, v1;
	v3 =	vadd.f32 v6, v3  }
0x150: {  	[tilespmem:s18+$0x83A0] =	vst v4;
	v2 =	vmul.f32 $2.500000000e-01, v2;
	v0 =	vadd.f32 v61, v0  }
0x151: {  	[tilespmem:s18+$0x83B0] =	vst v1;
	v63 =	vmul.f32 $2.500000000e-01, v3  }
0x152: {  	s17 =	sadd.s32 $0x1, s17;
	[tilespmem:s18+$0x83C0] =	vst v2;
	v0 =	vmul.f32 $2.500000000e-01, v0  }
0x153: {  	p0 =	sne.s32 s17, s9;
	[tilespmem:s18+$0x83D0] =	vst v63  }
.Ltmp1:
0x154: {  	[tilespmem:s18+$0x83E0] =	vst v0;
	(pc) =	sbr.rel @p0 .LBB2_1-.Ltmp1, $4  }
0x155: {  	[hbm4b:s8+s2] =	stream.linear.scatter [tilespmem:s16], [sflag:$0x2], $0x2000, $0x38;
	[tilespmem:$0xA200] =	vst v63  }
0x156: {  	_ =	swait.ge [sflag:s10], $0x2000  }
0x157: {  	[sflag:s10] =	ssyncset.done $0x0  }
0x158: {  	[sflag:s10] =	ssyncadd.s32 $0xFFFFE000  }
0x159: {  	_ =	sfence.sel $0x180000  }
0x15a: {  	[bflag:$0x0] =	sbarrier.arrive $0xFFFF  }
0x15b: {  	p0 =	sne.s32 s0, $0x0;
	_ =	strace $0x90000047  }
0x15c: {  	s0 =	sadd.s32 @!p0 $0x100000, s1;
	[bflag:$0x2] =	sbarrier.arrive $0xFFFF  }
0x15d: {  	[sflag:s0] =	ssyncadd.tile.s32 @!p0 $0x1;
	_ =	shalt  }
.Lfunc_end2:
_tile_overlayer_lowered:
.L_overlay_start_2:
0x15e: {  	(tag) =	ssettag $0x2  }
0x15f: {  	s0 =	rddreg [dreg:$0x0];
	s2 =	stileid.u32  }
0x160: {  	s1 =	rddreg [dreg:$0x1];
	p0 =	sne.s32 s2, $0x0  }
0x161: {  	s3 =	rddreg [dreg:$0x2];
	[bflag:$0x3] =	sbarrier.arrive $0xFFFF;
	s2 =	simm.s32 @!p0 $0x1C02  }
0x162: {  	[timem:s3], [sflag:s2] =	dma.local @!p0 [hbm:s0], s1  }
0x163: {  	s0 =	simm.s32 @!p0 $0x2  }
0x164: {  	_ =	swait.ge @!p0 [sflag:s0], s1  }
0x165: {  	s1 =	ssub.s32 @!p0 $0x0, s1;
	[sflag:s0] =	ssyncset.done @!p0 $0x0  }
0x166: {  	[sflag:s0] =	ssyncadd.s32 @!p0 s1  }
0x167: {  	[bflag:$0x3] =	sbarrier.arrive $0xFFFF  }
0x168: {  	_ =	shalt  }

</sc_bundles>
